<compile_context>
chip_gen: v7x
topology: tpu7x:2x2x1
jax: 0.10.2.dev20260603
libtpu: 0.0.44.dev20260713+nightly
codegen_flags: <defaults>
</compile_context>

<pallas_src>
import functools
from math import ceil

import jax
import jax.numpy as jnp
from jax import lax
from jax.experimental import pallas as pl
from jax.experimental.pallas import tpu as pltpu
from jax.experimental.pallas import tpu_sc as plsc

_B, _N, _P = 4, 512, 16384
_LANES = 128
_NUM = ceil(0.9 * (_N - 1))
_K = (_N - 1) - _NUM
_L = 16
_NV = _N // _L

_NT = 512
_RB = 128
_NSC = _N - _NT
_TPB = 8
_RPT = _NSC // _TPB
_CR = 2
_NCH = _RPT // _CR
_UNROLL = 4
_NTV = _NT // _L


def _mv_body(dens_ref, prob_ref, out_ref):
    b = pl.program_id(0)
    r = pl.program_id(1)
    blk = prob_ref[0]
    d = dens_ref[pl.ds(b, 1)]
    acc = jnp.zeros((_RB, _LANES), jnp.float32)
    for j in range(_P // _LANES):
        sl = slice(j * _LANES, (j + 1) * _LANES)
        acc = acc + blk[:, sl] * d[:, sl]
    out_ref[0, 0, pl.ds(r * _RB, _RB)] = jnp.sum(acc, axis=1)


def _matvec(prob_list, pre_density):
    return pl.pallas_call(
        _mv_body,
        grid=(_B, _NT // _RB),
        in_specs=[
            pl.BlockSpec((_B, _P), lambda b, r: (0, 0)),
            pl.BlockSpec((1, _RB, _P), lambda b, r: (b, r, 0)),
        ],
        out_specs=pl.BlockSpec((1, 1, _NT), lambda b, r: (b, 0, 0)),
        out_shape=jax.ShapeDtypeStruct((_B, 1, _NT), jnp.float32),
    )(pre_density, prob_list)


def _gather16(v, idx):
    return lax.gather(
        v,
        idx[:, None],
        lax.GatherDimensionNumbers(
            offset_dims=(), collapsed_slice_dims=(0,), start_index_map=(0,)
        ),
        (1,),
        mode=lax.GatherScatterMode.PROMISE_IN_BOUNDS,
    )


def _xlane_sum(v):
    lane = lax.iota(jnp.int32, _L)
    for s in (1, 2, 4, 8):
        v = v + _gather16(v, lane ^ s)
    return v


def _sc_loss_body(pc_hbm, ps_hbm, tp_hbm, out_hbm, pc_v, ps_v, tp_v, res_v, out_v):
    wid = lax.axis_index("s")

    @pl.when(wid < _B)
    def _work():
        b = wid
        pltpu.sync_copy(pc_hbm.at[b, 0], pc_v)
        if _NSC:
            pltpu.sync_copy(ps_hbm.at[b], ps_v)
        pltpu.sync_copy(tp_hbm, tp_v)

        lane = lax.iota(jnp.int32, _L)
        last = lane == (_L - 1)
        brow = jnp.full((_L,), b, jnp.int32)

        def _tgt(j):
            col = jnp.minimum(j * _L + lane, jnp.int32(_N - 2))
            return plsc.load_gather(tp_v, [brow, col])

        def _res_body_tc(j, total_vec):
            sl = pl.ds(j * _L, _L)
            r = jnp.abs(_tgt(j) - pc_v[sl])
            res_v[sl] = r
            return total_vec + r

        total_vec = lax.fori_loop(
            0, min(_NTV, _NV - 1), _res_body_tc, jnp.zeros((_L,), jnp.float32)
        )

        def _res_body_sc(j, total_vec):
            sl = pl.ds((_NTV + j) * _L, _L)
            r = jnp.abs(_tgt(_NTV + j) - ps_v[pl.ds(j * _L, _L)])
            res_v[sl] = r
            return total_vec + r

        if _NSC:
            total_vec = lax.fori_loop(0, _NV - _NTV - 1, _res_body_sc, total_vec)
        sl = pl.ds((_NV - 1) * _L, _L)
        if _NSC:
            lastsrc = ps_v[pl.ds((_NV - _NTV - 1) * _L, _L)]
        else:
            lastsrc = pc_v[sl]
        r = jnp.abs(jnp.where(last, 0.0, _tgt(_NV - 1)) - lastsrc)
        res511_vec = jnp.where(last, r, 0.0)
        r = jnp.where(last, jnp.float32(-1.0), r)
        total_vec = total_vec + jnp.where(last, 0.0, r)
        res_v[sl] = r
        total = _xlane_sum(total_vec)
        res511 = _xlane_sum(res511_vec)

        km1 = jnp.full((_L,), _K - 1, jnp.int32)

        def _bs_body(_, carry):
            lo, hi = carry
            mid = lo + lax.shift_right_logical(hi - lo, 1)
            t = plsc.bitcast(mid, jnp.float32)
            cnt_vec = jnp.zeros((_L,), jnp.int32)
            for j in range(_NV):
                rr = res_v[pl.ds(j * _L, _L)]
                cnt_vec = cnt_vec + jnp.where(rr > t, 1, 0).astype(jnp.int32)
            cnt = _xlane_sum(cnt_vec)
            pred = cnt > km1
            return (jnp.where(pred, mid + 1, lo), jnp.where(pred, hi, mid))

        lo, _ = lax.fori_loop(
            0,
            31,
            _bs_body,
            (
                jnp.zeros((_L,), jnp.int32),
                jnp.full((_L,), 0x7F800000, jnp.int32),
            ),
        )

        tvec = plsc.bitcast(lo, jnp.float32)

        def _gt_body(j, carry):
            sum_gt_vec, cnt_gt_vec = carry
            rr = res_v[pl.ds(j * _L, _L)]
            m = rr > tvec
            return (
                sum_gt_vec + jnp.where(m, rr, 0.0),
                cnt_gt_vec + jnp.where(m, 1, 0).astype(jnp.int32),
            )

        sum_gt_vec, cnt_gt_vec = lax.fori_loop(
            0,
            _NV,
            _gt_body,
            (jnp.zeros((_L,), jnp.float32), jnp.zeros((_L,), jnp.int32)),
        )
        sum_gt = _xlane_sum(sum_gt_vec)
        cnt_gt = _xlane_sum(cnt_gt_vec)
        sum_top = sum_gt + (jnp.full((_L,), _K, jnp.int32) - cnt_gt).astype(
            jnp.float32
        ) * tvec

        out_v[...] = total - sum_top + res511
        pltpu.sync_copy(out_v, out_hbm.at[b])


@functools.cache
def _sc_loss():
    return pl.kernel(
        _sc_loss_body,
        out_type=jax.ShapeDtypeStruct((_B, _L), jnp.float32),
        mesh=plsc.VectorSubcoreMesh(
            core_axis_name="c", subcore_axis_name="s", num_cores=1, num_subcores=16
        ),
        compiler_params=pltpu.CompilerParams(needs_layout_passes=False),
        scratch_types=[
            pltpu.VMEM((_NT,), jnp.float32),
            pltpu.VMEM((max(_NSC, _L),), jnp.float32),
            pltpu.VMEM((_B, _N - 1), jnp.float32),
            pltpu.VMEM((_N,), jnp.float32),
            pltpu.VMEM((_L,), jnp.float32),
        ],
    )


def kernel(prob_list, target_list, pre_density):
    pc_tc = _matvec(prob_list, pre_density)
    pc_sc = pc_tc
    per_batch = _sc_loss()(pc_tc, pc_sc, target_list)
    return jnp.sum(per_batch[:, 0]) / _B

# --- scband reference (transcript-rebuilt; emitter-appended) ---
"""Pipeline reference for scband-bay-loss-52965536694286 (READ-ONLY COPY).

The authoritative reference and input builder live on the scoring server;
editing this copy changes nothing except your own understanding.
"""

import jax, jax.numpy as jnp
import numpy as np
from math import ceil


def setup_inputs(seed: int = 0) -> dict:
    key = jax.random.key(seed)
    k1, k2, k3 = jax.random.split(key, 3)
    prob_list = jax.random.uniform(k1, (4, 512, 16384), dtype=jnp.float32)
    target_list = jax.random.uniform(k2, (4, 511), dtype=jnp.float32)
    pre_density = jax.random.uniform(k3, (4, 16384), dtype=jnp.float32)
    return {"prob_list": prob_list, "target_list": target_list, "pre_density": pre_density}


def reference(prob_list, target_list, pre_density):
    # use_bg = True
    B, N, P = prob_list.shape
    num = ceil(0.9 * (N - 1))
    loss = jnp.float32(0.0)
    for idx in range(B):
        prob = prob_list[idx]  # [N, P]
        # target = zeros(N); target[:-1] = target_list[idx]
        target = jnp.zeros((N,), dtype=jnp.float32).at[:-1].set(target_list[idx])
        pre_count = jnp.sum(pre_density[idx].reshape(1, -1) * prob, axis=1)  # [N]
        res = jnp.abs(target - pre_count)
        # torch.topk(res[:-1], num, largest=False): num smallest values
        smallest = -jax.lax.top_k(-res[:-1], num)[0]
        loss = loss + jnp.sum(smallest) + res[-1]
    loss = loss / B
    return loss

if __name__ == "__main__":
    import jax
    _d = setup_inputs()
    print(jax.jit(kernel)(*tuple(_d.values())))

</pallas_src>

<mosaic_0001>
#map = affine_map<(d0, d1) -> (0, 0, 0)>
#map1 = affine_map<(d0, d1) -> (0, 0)>
module attributes {stable_mosaic.version = 14 : i64} {
  func.func @_sc_loss_body(%arg0: i32, %arg1: i32, %arg2: memref<4x1x512xf32, #tpu.memory_space<hbm>>, %arg3: memref<4x1x512xf32, #tpu.memory_space<hbm>>, %arg4: memref<4x511xf32, #tpu.memory_space<hbm>>, %arg5: memref<4x16xf32, #tpu.memory_space<hbm>>, %arg6: memref<512xf32, #tpu.memory_space<vmem>>, %arg7: memref<16xf32, #tpu.memory_space<vmem>>, %arg8: memref<4x511xf32, #tpu.memory_space<vmem>>, %arg9: memref<512xf32, #tpu.memory_space<vmem>>, %arg10: memref<16xf32, #tpu.memory_space<vmem>>) attributes {dimension_semantics = [#tpu.dimension_semantics<core_parallel>, #tpu.dimension_semantics<subcore_parallel>], iteration_bounds = array<i64: 1, 16>, scalar_prefetch = 0 : i64, scratch_operands = 5 : i64, tpu.core_type = #tpu.core_type<sc_vector_subcore>, window_params = [{transform_indices = #map}, {transform_indices = #map}, {transform_indices = #map1}, {transform_indices = #map1}]} {
    %lt3A = arith.constant 4 : i32
    %lt3A_0 = arith.cmpi slt, %arg1, %lt3A : i32
    %convert_element_type3A = arith.extui %lt3A_0 : i1 to i32
    %cond3A = arith.constant 0 : i32
    %cond3A_1 = arith.cmpi ne, %convert_element_type3A, %cond3A : i32
    scf.if %cond3A_1 {
      %run_scoped3A = arith.constant 0 : i32
      "tpu.region"() ({
        %run_scoped3A_174 = tpu.sem_alloc : memref<!tpu.dma_semaphore, #tpu.memory_space<semaphore_mem>>
        %dma_start3A = arith.constant 0 : i32
        %dma_start3A_175 = tpu.memref_slice %arg2[%arg1, %run_scoped3A, %dma_start3A] : memref<4x1x512xf32, #tpu.memory_space<hbm>> -> memref<1x1x512xf32, #tpu.memory_space<hbm>>
        %dma_start3A_176 = tpu.memref_squeeze %dma_start3A_175 : memref<1x1x512xf32, #tpu.memory_space<hbm>> -> memref<512xf32, #tpu.memory_space<hbm>>
        %dma_start3A_177 = arith.constant 0 : i32
        %dma_start3A_178 = tpu.memref_slice %arg2[%arg1, %run_scoped3A, %dma_start3A_177] : memref<4x1x512xf32, #tpu.memory_space<hbm>> -> memref<1x1x512xf32, #tpu.memory_space<hbm>>
        %dma_start3A_179 = tpu.memref_squeeze %dma_start3A_178 : memref<1x1x512xf32, #tpu.memory_space<hbm>> -> memref<512xf32, #tpu.memory_space<hbm>>
        tpu.enqueue_dma source(%dma_start3A_179 : memref<512xf32, #tpu.memory_space<hbm>>) target(%arg6 : memref<512xf32, #tpu.memory_space<vmem>>) target_semaphore(%run_scoped3A_174 : memref<!tpu.dma_semaphore, #tpu.memory_space<semaphore_mem>>)
        %dma_wait3A = arith.constant 0 : i32
        %dma_wait3A_180 = tpu.memref_slice %arg2[%arg1, %run_scoped3A, %dma_wait3A] : memref<4x1x512xf32, #tpu.memory_space<hbm>> -> memref<1x1x512xf32, #tpu.memory_space<hbm>>
        %dma_wait3A_181 = tpu.memref_squeeze %dma_wait3A_180 : memref<1x1x512xf32, #tpu.memory_space<hbm>> -> memref<512xf32, #tpu.memory_space<hbm>>
        %dma_wait3A_182 = arith.constant 0 : i32
        %dma_wait3A_183 = tpu.memref_slice %arg2[%arg1, %run_scoped3A, %dma_wait3A_182] : memref<4x1x512xf32, #tpu.memory_space<hbm>> -> memref<1x1x512xf32, #tpu.memory_space<hbm>>
        %dma_wait3A_184 = tpu.memref_squeeze %dma_wait3A_183 : memref<1x1x512xf32, #tpu.memory_space<hbm>> -> memref<512xf32, #tpu.memory_space<hbm>>
        tpu.wait_dma2 semaphore(%run_scoped3A_174 : memref<!tpu.dma_semaphore, #tpu.memory_space<semaphore_mem>>) src(%dma_wait3A_184 : memref<512xf32, #tpu.memory_space<hbm>>) dst(%arg6 : memref<512xf32, #tpu.memory_space<vmem>>)
        tpu.yield
      }) : () -> ()
      "tpu.region"() ({
        %run_scoped3A_174 = tpu.sem_alloc : memref<!tpu.dma_semaphore, #tpu.memory_space<semaphore_mem>>
        tpu.enqueue_dma source(%arg4 : memref<4x511xf32, #tpu.memory_space<hbm>>) target(%arg8 : memref<4x511xf32, #tpu.memory_space<vmem>>) target_semaphore(%run_scoped3A_174 : memref<!tpu.dma_semaphore, #tpu.memory_space<semaphore_mem>>)
        tpu.wait_dma2 semaphore(%run_scoped3A_174 : memref<!tpu.dma_semaphore, #tpu.memory_space<semaphore_mem>>) src(%arg4 : memref<4x511xf32, #tpu.memory_space<hbm>>) dst(%arg8 : memref<4x511xf32, #tpu.memory_space<vmem>>)
        tpu.yield
      }) : () -> ()
      %iota3A = tpu.iota {dimensions = array<i32: 0>} : vector<16xi32>
      %eq3A = arith.constant 15 : i32
      %eq3A_2 = vector.broadcast %eq3A : i32 to vector<16xi32>
      %eq3A_3 = arith.cmpi eq, %iota3A, %eq3A_2 : vector<16xi32>
      %broadcast_in_dim3A = vector.broadcast %arg1 : i32 to vector<16xi32>
      %broadcast_in_dim3A_4 = arith.constant 0.000000e+00 : f32
      %broadcast_in_dim3A_5 = vector.broadcast %broadcast_in_dim3A_4 : f32 to vector<16xf32>
      %scan3A = arith.constant 0 : i32
      %scan3A_6 = arith.constant 31 : i32
      %scan3A_7 = arith.addi %scan3A, %scan3A_6 : i32
      %scan3A_8 = arith.constant 1 : i32
      %scan3A_9 = scf.for %scan3A_174 = %scan3A to %scan3A_7 step %scan3A_8 iter_args(%scan3A_175 = %broadcast_in_dim3A_5) -> (vector<16xf32>)  : i32 {
        %mul3A_176 = arith.constant 16 : i32
        %mul3A_177 = arith.muli %scan3A_174, %mul3A_176 : i32
        %mul3A_178 = arith.constant 16 : i32
        %mul3A_179 = arith.muli %scan3A_174, %mul3A_178 : i32
        %add3A_180 = vector.broadcast %mul3A_179 : i32 to vector<16xi32>
        %add3A_181 = arith.addi %add3A_180, %iota3A : vector<16xi32>
        %min3A_182 = arith.constant 510 : i32
        %min3A_183 = vector.broadcast %min3A_182 : i32 to vector<16xi32>
        %min3A_184 = arith.minsi %add3A_181, %min3A_183 : vector<16xi32>
        %gather3A_185 = tpu.vector_load_idx %arg8[%broadcast_in_dim3A, %min3A_184] : memref<4x511xf32, #tpu.memory_space<vmem>>[vector<16xi32>, vector<16xi32>], vector<16xf32>,
        %get3A_186 = arith.index_cast %mul3A_177 : i32 to index
        %get3A_187 = tpu.vector_load %arg6[%get3A_186] {strides = array<i32>} : memref<512xf32, #tpu.memory_space<vmem>>, vector<16xf32>,
        %sub3A_188 = arith.subf %gather3A_185, %get3A_187 : vector<16xf32>
        %abs3A_189 = math.absf %sub3A_188 : vector<16xf32>
        %swap3A_190 = arith.index_cast %mul3A_177 : i32 to index
        %swap3A_191 = tpu.vector_load %arg9[%swap3A_190] {strides = array<i32>} : memref<512xf32, #tpu.memory_space<vmem>>, vector<16xf32>,
        tpu.vector_store %arg9[%swap3A_190], %abs3A_189 {strides = array<i32>} : memref<512xf32, #tpu.memory_space<vmem>>, vector<16xf32>,
        %add3A_192 = arith.addf %scan3A_175, %abs3A_189 : vector<16xf32>
        scf.yield %add3A_192 : vector<16xf32>
      }
      %scan3A_10 = arith.constant 31 : i32
      %get3A = arith.constant 496 : index
      %get3A_11 = tpu.vector_load %arg6[%get3A] {strides = array<i32>} : memref<512xf32, #tpu.memory_space<vmem>>, vector<16xf32>,
      %add3A = arith.constant 496 : i32
      %add3A_12 = vector.broadcast %add3A : i32 to vector<16xi32>
      %add3A_13 = arith.addi %add3A_12, %iota3A : vector<16xi32>
      %min3A = arith.constant 510 : i32
      %min3A_14 = vector.broadcast %min3A : i32 to vector<16xi32>
      %min3A_15 = arith.minsi %add3A_13, %min3A_14 : vector<16xi32>
      %gather3A = tpu.vector_load_idx %arg8[%broadcast_in_dim3A, %min3A_15] : memref<4x511xf32, #tpu.memory_space<vmem>>[vector<16xi32>, vector<16xi32>], vector<16xf32>,
      %jit3A = arith.constant 0.000000e+00 : f32
      %broadcast_in_dim3A_16 = vector.broadcast %jit3A : f32 to vector<16xf32>
      %select_n3A = arith.select %eq3A_3, %broadcast_in_dim3A_16, %gather3A : vector<16xi1>, vector<16xf32>
      %sub3A = arith.subf %select_n3A, %get3A_11 : vector<16xf32>
      %abs3A = math.absf %sub3A : vector<16xf32>
      %jit3A_17 = arith.constant 0.000000e+00 : f32
      %broadcast_in_dim3A_18 = vector.broadcast %jit3A_17 : f32 to vector<16xf32>
      %select_n3A_19 = arith.select %eq3A_3, %abs3A, %broadcast_in_dim3A_18 : vector<16xi1>, vector<16xf32>
      %jit3A_20 = arith.constant -1.000000e+00 : f32
      %broadcast_in_dim3A_21 = vector.broadcast %jit3A_20 : f32 to vector<16xf32>
      %select_n3A_22 = arith.select %eq3A_3, %broadcast_in_dim3A_21, %abs3A : vector<16xi1>, vector<16xf32>
      %jit3A_23 = arith.constant 0.000000e+00 : f32
      %broadcast_in_dim3A_24 = vector.broadcast %jit3A_23 : f32 to vector<16xf32>
      %select_n3A_25 = arith.select %eq3A_3, %broadcast_in_dim3A_24, %select_n3A_22 : vector<16xi1>, vector<16xf32>
      %add3A_26 = arith.addf %scan3A_9, %select_n3A_25 : vector<16xf32>
      %swap3A = arith.constant 496 : index
      %swap3A_27 = tpu.vector_load %arg9[%swap3A] {strides = array<i32>} : memref<512xf32, #tpu.memory_space<vmem>>, vector<16xf32>,
      tpu.vector_store %arg9[%swap3A], %select_n3A_22 {strides = array<i32>} : memref<512xf32, #tpu.memory_space<vmem>>, vector<16xf32>,
      %iota3A_28 = tpu.iota {dimensions = array<i32: 0>} : vector<16xi32>
      %xor3A = arith.constant 1 : i32
      %xor3A_29 = vector.broadcast %xor3A : i32 to vector<16xi32>
      %xor3A_30 = arith.xori %iota3A_28, %xor3A_29 : vector<16xi32>
      %broadcast_in_dim3A_31 = vector.shape_cast %xor3A_30 : vector<16xi32> to vector<16x1xi32>
      %gather3A_32 = vector.shape_cast %broadcast_in_dim3A_31 : vector<16x1xi32> to vector<16xi32>
      %gather3A_33 = tpu.dynamic_gather %add3A_26[%gather3A_32] in [0] : vector<16xf32>, vector<16xi32> -> vector<16xf32>
      %add3A_34 = arith.addf %add3A_26, %gather3A_33 : vector<16xf32>
      %xor3A_35 = arith.constant 2 : i32
      %xor3A_36 = vector.broadcast %xor3A_35 : i32 to vector<16xi32>
      %xor3A_37 = arith.xori %iota3A_28, %xor3A_36 : vector<16xi32>
      %broadcast_in_dim3A_38 = vector.shape_cast %xor3A_37 : vector<16xi32> to vector<16x1xi32>
      %gather3A_39 = vector.shape_cast %broadcast_in_dim3A_38 : vector<16x1xi32> to vector<16xi32>
      %gather3A_40 = tpu.dynamic_gather %add3A_34[%gather3A_39] in [0] : vector<16xf32>, vector<16xi32> -> vector<16xf32>
      %add3A_41 = arith.addf %add3A_34, %gather3A_40 : vector<16xf32>
      %xor3A_42 = arith.constant 4 : i32
      %xor3A_43 = vector.broadcast %xor3A_42 : i32 to vector<16xi32>
      %xor3A_44 = arith.xori %iota3A_28, %xor3A_43 : vector<16xi32>
      %broadcast_in_dim3A_45 = vector.shape_cast %xor3A_44 : vector<16xi32> to vector<16x1xi32>
      %gather3A_46 = vector.shape_cast %broadcast_in_dim3A_45 : vector<16x1xi32> to vector<16xi32>
      %gather3A_47 = tpu.dynamic_gather %add3A_41[%gather3A_46] in [0] : vector<16xf32>, vector<16xi32> -> vector<16xf32>
      %add3A_48 = arith.addf %add3A_41, %gather3A_47 : vector<16xf32>
      %xor3A_49 = arith.constant 8 : i32
      %xor3A_50 = vector.broadcast %xor3A_49 : i32 to vector<16xi32>
      %xor3A_51 = arith.xori %iota3A_28, %xor3A_50 : vector<16xi32>
      %broadcast_in_dim3A_52 = vector.shape_cast %xor3A_51 : vector<16xi32> to vector<16x1xi32>
      %gather3A_53 = vector.shape_cast %broadcast_in_dim3A_52 : vector<16x1xi32> to vector<16xi32>
      %gather3A_54 = tpu.dynamic_gather %add3A_48[%gather3A_53] in [0] : vector<16xf32>, vector<16xi32> -> vector<16xf32>
      %add3A_55 = arith.addf %add3A_48, %gather3A_54 : vector<16xf32>
      %iota3A_56 = tpu.iota {dimensions = array<i32: 0>} : vector<16xi32>
      %xor3A_57 = arith.constant 1 : i32
      %xor3A_58 = vector.broadcast %xor3A_57 : i32 to vector<16xi32>
      %xor3A_59 = arith.xori %iota3A_56, %xor3A_58 : vector<16xi32>
      %broadcast_in_dim3A_60 = vector.shape_cast %xor3A_59 : vector<16xi32> to vector<16x1xi32>
      %gather3A_61 = vector.shape_cast %broadcast_in_dim3A_60 : vector<16x1xi32> to vector<16xi32>
      %gather3A_62 = tpu.dynamic_gather %select_n3A_19[%gather3A_61] in [0] : vector<16xf32>, vector<16xi32> -> vector<16xf32>
      %add3A_63 = arith.addf %select_n3A_19, %gather3A_62 : vector<16xf32>
      %xor3A_64 = arith.constant 2 : i32
      %xor3A_65 = vector.broadcast %xor3A_64 : i32 to vector<16xi32>
      %xor3A_66 = arith.xori %iota3A_56, %xor3A_65 : vector<16xi32>
      %broadcast_in_dim3A_67 = vector.shape_cast %xor3A_66 : vector<16xi32> to vector<16x1xi32>
      %gather3A_68 = vector.shape_cast %broadcast_in_dim3A_67 : vector<16x1xi32> to vector<16xi32>
      %gather3A_69 = tpu.dynamic_gather %add3A_63[%gather3A_68] in [0] : vector<16xf32>, vector<16xi32> -> vector<16xf32>
      %add3A_70 = arith.addf %add3A_63, %gather3A_69 : vector<16xf32>
      %xor3A_71 = arith.constant 4 : i32
      %xor3A_72 = vector.broadcast %xor3A_71 : i32 to vector<16xi32>
      %xor3A_73 = arith.xori %iota3A_56, %xor3A_72 : vector<16xi32>
      %broadcast_in_dim3A_74 = vector.shape_cast %xor3A_73 : vector<16xi32> to vector<16x1xi32>
      %gather3A_75 = vector.shape_cast %broadcast_in_dim3A_74 : vector<16x1xi32> to vector<16xi32>
      %gather3A_76 = tpu.dynamic_gather %add3A_70[%gather3A_75] in [0] : vector<16xf32>, vector<16xi32> -> vector<16xf32>
      %add3A_77 = arith.addf %add3A_70, %gather3A_76 : vector<16xf32>
      %xor3A_78 = arith.constant 8 : i32
      %xor3A_79 = vector.broadcast %xor3A_78 : i32 to vector<16xi32>
      %xor3A_80 = arith.xori %iota3A_56, %xor3A_79 : vector<16xi32>
      %broadcast_in_dim3A_81 = vector.shape_cast %xor3A_80 : vector<16xi32> to vector<16x1xi32>
      %gather3A_82 = vector.shape_cast %broadcast_in_dim3A_81 : vector<16x1xi32> to vector<16xi32>
      %gather3A_83 = tpu.dynamic_gather %add3A_77[%gather3A_82] in [0] : vector<16xf32>, vector<16xi32> -> vector<16xf32>
      %add3A_84 = arith.addf %add3A_77, %gather3A_83 : vector<16xf32>
      %broadcast_in_dim3A_85 = arith.constant 50 : i32
      %broadcast_in_dim3A_86 = vector.broadcast %broadcast_in_dim3A_85 : i32 to vector<16xi32>
      %broadcast_in_dim3A_87 = arith.constant 0 : i32
      %broadcast_in_dim3A_88 = vector.broadcast %broadcast_in_dim3A_87 : i32 to vector<16xi32>
      %broadcast_in_dim3A_89 = arith.constant 2139095040 : i32
      %broadcast_in_dim3A_90 = vector.broadcast %broadcast_in_dim3A_89 : i32 to vector<16xi32>
      %scan3A_91 = arith.constant 0 : i32
      %scan3A_92 = arith.constant 31 : i32
      %scan3A_93 = arith.addi %scan3A_91, %scan3A_92 : i32
      %scan3A_94 = arith.constant 1 : i32
      %scan3A_95:2 = scf.for %scan3A_174 = %scan3A_91 to %scan3A_93 step %scan3A_94 iter_args(%scan3A_175 = %broadcast_in_dim3A_88, %scan3A_176 = %broadcast_in_dim3A_90) -> (vector<16xi32>, vector<16xi32>)  : i32 {
        %sub3A_177 = arith.subi %scan3A_176, %scan3A_175 : vector<16xi32>
        %shift_right_logical3A = arith.constant 1 : i32
        %shift_right_logical3A_178 = vector.broadcast %shift_right_logical3A : i32 to vector<16xi32>
        %shift_right_logical3A_179 = arith.shrui %sub3A_177, %shift_right_logical3A_178 : vector<16xi32>
        %add3A_180 = arith.addi %scan3A_175, %shift_right_logical3A_179 : vector<16xi32>
        %bitcast3A_181 = vector.bitcast %add3A_180 : vector<16xi32> to vector<16xf32>
        %broadcast_in_dim3A_182 = arith.constant 0 : i32
        %broadcast_in_dim3A_183 = vector.broadcast %broadcast_in_dim3A_182 : i32 to vector<16xi32>
        %get3A_184 = arith.constant 0 : index
        %get3A_185 = tpu.vector_load %arg9[%get3A_184] {strides = array<i32>} : memref<512xf32, #tpu.memory_space<vmem>>, vector<16xf32>,
        %gt3A = arith.cmpf ogt, %get3A_185, %bitcast3A_181 : vector<16xf32>
        %jit3A_186 = arith.constant 1 : i32
        %jit3A_187 = arith.constant 0 : i32
        %broadcast_in_dim3A_188 = vector.broadcast %jit3A_186 : i32 to vector<16xi32>
        %broadcast_in_dim3A_189 = vector.broadcast %jit3A_187 : i32 to vector<16xi32>
        %select_n3A_190 = arith.select %gt3A, %broadcast_in_dim3A_188, %broadcast_in_dim3A_189 : vector<16xi1>, vector<16xi32>
        %add3A_191 = arith.addi %broadcast_in_dim3A_183, %select_n3A_190 : vector<16xi32>
        %get3A_192 = arith.constant 16 : index
        %get3A_193 = tpu.vector_load %arg9[%get3A_192] {strides = array<i32>} : memref<512xf32, #tpu.memory_space<vmem>>, vector<16xf32>,
        %gt3A_194 = arith.cmpf ogt, %get3A_193, %bitcast3A_181 : vector<16xf32>
        %jit3A_195 = arith.constant 1 : i32
        %jit3A_196 = arith.constant 0 : i32
        %broadcast_in_dim3A_197 = vector.broadcast %jit3A_195 : i32 to vector<16xi32>
        %broadcast_in_dim3A_198 = vector.broadcast %jit3A_196 : i32 to vector<16xi32>
        %select_n3A_199 = arith.select %gt3A_194, %broadcast_in_dim3A_197, %broadcast_in_dim3A_198 : vector<16xi1>, vector<16xi32>
        %add3A_200 = arith.addi %add3A_191, %select_n3A_199 : vector<16xi32>
        %get3A_201 = arith.constant 32 : index
        %get3A_202 = tpu.vector_load %arg9[%get3A_201] {strides = array<i32>} : memref<512xf32, #tpu.memory_space<vmem>>, vector<16xf32>,
        %gt3A_203 = arith.cmpf ogt, %get3A_202, %bitcast3A_181 : vector<16xf32>
        %jit3A_204 = arith.constant 1 : i32
        %jit3A_205 = arith.constant 0 : i32
        %broadcast_in_dim3A_206 = vector.broadcast %jit3A_204 : i32 to vector<16xi32>
        %broadcast_in_dim3A_207 = vector.broadcast %jit3A_205 : i32 to vector<16xi32>
        %select_n3A_208 = arith.select %gt3A_203, %broadcast_in_dim3A_206, %broadcast_in_dim3A_207 : vector<16xi1>, vector<16xi32>
        %add3A_209 = arith.addi %add3A_200, %select_n3A_208 : vector<16xi32>
        %get3A_210 = arith.constant 48 : index
        %get3A_211 = tpu.vector_load %arg9[%get3A_210] {strides = array<i32>} : memref<512xf32, #tpu.memory_space<vmem>>, vector<16xf32>,
        %gt3A_212 = arith.cmpf ogt, %get3A_211, %bitcast3A_181 : vector<16xf32>
        %jit3A_213 = arith.constant 1 : i32
        %jit3A_214 = arith.constant 0 : i32
        %broadcast_in_dim3A_215 = vector.broadcast %jit3A_213 : i32 to vector<16xi32>
        %broadcast_in_dim3A_216 = vector.broadcast %jit3A_214 : i32 to vector<16xi32>
        %select_n3A_217 = arith.select %gt3A_212, %broadcast_in_dim3A_215, %broadcast_in_dim3A_216 : vector<16xi1>, vector<16xi32>
        %add3A_218 = arith.addi %add3A_209, %select_n3A_217 : vector<16xi32>
        %get3A_219 = arith.constant 64 : index
        %get3A_220 = tpu.vector_load %arg9[%get3A_219] {strides = array<i32>} : memref<512xf32, #tpu.memory_space<vmem>>, vector<16xf32>,
        %gt3A_221 = arith.cmpf ogt, %get3A_220, %bitcast3A_181 : vector<16xf32>
        %jit3A_222 = arith.constant 1 : i32
        %jit3A_223 = arith.constant 0 : i32
        %broadcast_in_dim3A_224 = vector.broadcast %jit3A_222 : i32 to vector<16xi32>
        %broadcast_in_dim3A_225 = vector.broadcast %jit3A_223 : i32 to vector<16xi32>
        %select_n3A_226 = arith.select %gt3A_221, %broadcast_in_dim3A_224, %broadcast_in_dim3A_225 : vector<16xi1>, vector<16xi32>
        %add3A_227 = arith.addi %add3A_218, %select_n3A_226 : vector<16xi32>
        %get3A_228 = arith.constant 80 : index
        %get3A_229 = tpu.vector_load %arg9[%get3A_228] {strides = array<i32>} : memref<512xf32, #tpu.memory_space<vmem>>, vector<16xf32>,
        %gt3A_230 = arith.cmpf ogt, %get3A_229, %bitcast3A_181 : vector<16xf32>
        %jit3A_231 = arith.constant 1 : i32
        %jit3A_232 = arith.constant 0 : i32
        %broadcast_in_dim3A_233 = vector.broadcast %jit3A_231 : i32 to vector<16xi32>
        %broadcast_in_dim3A_234 = vector.broadcast %jit3A_232 : i32 to vector<16xi32>
        %select_n3A_235 = arith.select %gt3A_230, %broadcast_in_dim3A_233, %broadcast_in_dim3A_234 : vector<16xi1>, vector<16xi32>
        %add3A_236 = arith.addi %add3A_227, %select_n3A_235 : vector<16xi32>
        %get3A_237 = arith.constant 96 : index
        %get3A_238 = tpu.vector_load %arg9[%get3A_237] {strides = array<i32>} : memref<512xf32, #tpu.memory_space<vmem>>, vector<16xf32>,
        %gt3A_239 = arith.cmpf ogt, %get3A_238, %bitcast3A_181 : vector<16xf32>
        %jit3A_240 = arith.constant 1 : i32
        %jit3A_241 = arith.constant 0 : i32
        %broadcast_in_dim3A_242 = vector.broadcast %jit3A_240 : i32 to vector<16xi32>
        %broadcast_in_dim3A_243 = vector.broadcast %jit3A_241 : i32 to vector<16xi32>
        %select_n3A_244 = arith.select %gt3A_239, %broadcast_in_dim3A_242, %broadcast_in_dim3A_243 : vector<16xi1>, vector<16xi32>
        %add3A_245 = arith.addi %add3A_236, %select_n3A_244 : vector<16xi32>
        %get3A_246 = arith.constant 112 : index
        %get3A_247 = tpu.vector_load %arg9[%get3A_246] {strides = array<i32>} : memref<512xf32, #tpu.memory_space<vmem>>, vector<16xf32>,
        %gt3A_248 = arith.cmpf ogt, %get3A_247, %bitcast3A_181 : vector<16xf32>
        %jit3A_249 = arith.constant 1 : i32
        %jit3A_250 = arith.constant 0 : i32
        %broadcast_in_dim3A_251 = vector.broadcast %jit3A_249 : i32 to vector<16xi32>
        %broadcast_in_dim3A_252 = vector.broadcast %jit3A_250 : i32 to vector<16xi32>
        %select_n3A_253 = arith.select %gt3A_248, %broadcast_in_dim3A_251, %broadcast_in_dim3A_252 : vector<16xi1>, vector<16xi32>
        %add3A_254 = arith.addi %add3A_245, %select_n3A_253 : vector<16xi32>
        %get3A_255 = arith.constant 128 : index
        %get3A_256 = tpu.vector_load %arg9[%get3A_255] {strides = array<i32>} : memref<512xf32, #tpu.memory_space<vmem>>, vector<16xf32>,
        %gt3A_257 = arith.cmpf ogt, %get3A_256, %bitcast3A_181 : vector<16xf32>
        %jit3A_258 = arith.constant 1 : i32
        %jit3A_259 = arith.constant 0 : i32
        %broadcast_in_dim3A_260 = vector.broadcast %jit3A_258 : i32 to vector<16xi32>
        %broadcast_in_dim3A_261 = vector.broadcast %jit3A_259 : i32 to vector<16xi32>
        %select_n3A_262 = arith.select %gt3A_257, %broadcast_in_dim3A_260, %broadcast_in_dim3A_261 : vector<16xi1>, vector<16xi32>
        %add3A_263 = arith.addi %add3A_254, %select_n3A_262 : vector<16xi32>
        %get3A_264 = arith.constant 144 : index
        %get3A_265 = tpu.vector_load %arg9[%get3A_264] {strides = array<i32>} : memref<512xf32, #tpu.memory_space<vmem>>, vector<16xf32>,
        %gt3A_266 = arith.cmpf ogt, %get3A_265, %bitcast3A_181 : vector<16xf32>
        %jit3A_267 = arith.constant 1 : i32
        %jit3A_268 = arith.constant 0 : i32
        %broadcast_in_dim3A_269 = vector.broadcast %jit3A_267 : i32 to vector<16xi32>
        %broadcast_in_dim3A_270 = vector.broadcast %jit3A_268 : i32 to vector<16xi32>
        %select_n3A_271 = arith.select %gt3A_266, %broadcast_in_dim3A_269, %broadcast_in_dim3A_270 : vector<16xi1>, vector<16xi32>
        %add3A_272 = arith.addi %add3A_263, %select_n3A_271 : vector<16xi32>
        %get3A_273 = arith.constant 160 : index
        %get3A_274 = tpu.vector_load %arg9[%get3A_273] {strides = array<i32>} : memref<512xf32, #tpu.memory_space<vmem>>, vector<16xf32>,
        %gt3A_275 = arith.cmpf ogt, %get3A_274, %bitcast3A_181 : vector<16xf32>
        %jit3A_276 = arith.constant 1 : i32
        %jit3A_277 = arith.constant 0 : i32
        %broadcast_in_dim3A_278 = vector.broadcast %jit3A_276 : i32 to vector<16xi32>
        %broadcast_in_dim3A_279 = vector.broadcast %jit3A_277 : i32 to vector<16xi32>
        %select_n3A_280 = arith.select %gt3A_275, %broadcast_in_dim3A_278, %broadcast_in_dim3A_279 : vector<16xi1>, vector<16xi32>
        %add3A_281 = arith.addi %add3A_272, %select_n3A_280 : vector<16xi32>
        %get3A_282 = arith.constant 176 : index
        %get3A_283 = tpu.vector_load %arg9[%get3A_282] {strides = array<i32>} : memref<512xf32, #tpu.memory_space<vmem>>, vector<16xf32>,
        %gt3A_284 = arith.cmpf ogt, %get3A_283, %bitcast3A_181 : vector<16xf32>
        %jit3A_285 = arith.constant 1 : i32
        %jit3A_286 = arith.constant 0 : i32
        %broadcast_in_dim3A_287 = vector.broadcast %jit3A_285 : i32 to vector<16xi32>
        %broadcast_in_dim3A_288 = vector.broadcast %jit3A_286 : i32 to vector<16xi32>
        %select_n3A_289 = arith.select %gt3A_284, %broadcast_in_dim3A_287, %broadcast_in_dim3A_288 : vector<16xi1>, vector<16xi32>
        %add3A_290 = arith.addi %add3A_281, %select_n3A_289 : vector<16xi32>
        %get3A_291 = arith.constant 192 : index
        %get3A_292 = tpu.vector_load %arg9[%get3A_291] {strides = array<i32>} : memref<512xf32, #tpu.memory_space<vmem>>, vector<16xf32>,
        %gt3A_293 = arith.cmpf ogt, %get3A_292, %bitcast3A_181 : vector<16xf32>
        %jit3A_294 = arith.constant 1 : i32
        %jit3A_295 = arith.constant 0 : i32
        %broadcast_in_dim3A_296 = vector.broadcast %jit3A_294 : i32 to vector<16xi32>
        %broadcast_in_dim3A_297 = vector.broadcast %jit3A_295 : i32 to vector<16xi32>
        %select_n3A_298 = arith.select %gt3A_293, %broadcast_in_dim3A_296, %broadcast_in_dim3A_297 : vector<16xi1>, vector<16xi32>
        %add3A_299 = arith.addi %add3A_290, %select_n3A_298 : vector<16xi32>
        %get3A_300 = arith.constant 208 : index
        %get3A_301 = tpu.vector_load %arg9[%get3A_300] {strides = array<i32>} : memref<512xf32, #tpu.memory_space<vmem>>, vector<16xf32>,
        %gt3A_302 = arith.cmpf ogt, %get3A_301, %bitcast3A_181 : vector<16xf32>
        %jit3A_303 = arith.constant 1 : i32
        %jit3A_304 = arith.constant 0 : i32
        %broadcast_in_dim3A_305 = vector.broadcast %jit3A_303 : i32 to vector<16xi32>
        %broadcast_in_dim3A_306 = vector.broadcast %jit3A_304 : i32 to vector<16xi32>
        %select_n3A_307 = arith.select %gt3A_302, %broadcast_in_dim3A_305, %broadcast_in_dim3A_306 : vector<16xi1>, vector<16xi32>
        %add3A_308 = arith.addi %add3A_299, %select_n3A_307 : vector<16xi32>
        %get3A_309 = arith.constant 224 : index
        %get3A_310 = tpu.vector_load %arg9[%get3A_309] {strides = array<i32>} : memref<512xf32, #tpu.memory_space<vmem>>, vector<16xf32>,
        %gt3A_311 = arith.cmpf ogt, %get3A_310, %bitcast3A_181 : vector<16xf32>
        %jit3A_312 = arith.constant 1 : i32
        %jit3A_313 = arith.constant 0 : i32
        %broadcast_in_dim3A_314 = vector.broadcast %jit3A_312 : i32 to vector<16xi32>
        %broadcast_in_dim3A_315 = vector.broadcast %jit3A_313 : i32 to vector<16xi32>
        %select_n3A_316 = arith.select %gt3A_311, %broadcast_in_dim3A_314, %broadcast_in_dim3A_315 : vector<16xi1>, vector<16xi32>
        %add3A_317 = arith.addi %add3A_308, %select_n3A_316 : vector<16xi32>
        %get3A_318 = arith.constant 240 : index
        %get3A_319 = tpu.vector_load %arg9[%get3A_318] {strides = array<i32>} : memref<512xf32, #tpu.memory_space<vmem>>, vector<16xf32>,
        %gt3A_320 = arith.cmpf ogt, %get3A_319, %bitcast3A_181 : vector<16xf32>
        %jit3A_321 = arith.constant 1 : i32
        %jit3A_322 = arith.constant 0 : i32
        %broadcast_in_dim3A_323 = vector.broadcast %jit3A_321 : i32 to vector<16xi32>
        %broadcast_in_dim3A_324 = vector.broadcast %jit3A_322 : i32 to vector<16xi32>
        %select_n3A_325 = arith.select %gt3A_320, %broadcast_in_dim3A_323, %broadcast_in_dim3A_324 : vector<16xi1>, vector<16xi32>
        %add3A_326 = arith.addi %add3A_317, %select_n3A_325 : vector<16xi32>
        %get3A_327 = arith.constant 256 : index
        %get3A_328 = tpu.vector_load %arg9[%get3A_327] {strides = array<i32>} : memref<512xf32, #tpu.memory_space<vmem>>, vector<16xf32>,
        %gt3A_329 = arith.cmpf ogt, %get3A_328, %bitcast3A_181 : vector<16xf32>
        %jit3A_330 = arith.constant 1 : i32
        %jit3A_331 = arith.constant 0 : i32
        %broadcast_in_dim3A_332 = vector.broadcast %jit3A_330 : i32 to vector<16xi32>
        %broadcast_in_dim3A_333 = vector.broadcast %jit3A_331 : i32 to vector<16xi32>
        %select_n3A_334 = arith.select %gt3A_329, %broadcast_in_dim3A_332, %broadcast_in_dim3A_333 : vector<16xi1>, vector<16xi32>
        %add3A_335 = arith.addi %add3A_326, %select_n3A_334 : vector<16xi32>
        %get3A_336 = arith.constant 272 : index
        %get3A_337 = tpu.vector_load %arg9[%get3A_336] {strides = array<i32>} : memref<512xf32, #tpu.memory_space<vmem>>, vector<16xf32>,
        %gt3A_338 = arith.cmpf ogt, %get3A_337, %bitcast3A_181 : vector<16xf32>
        %jit3A_339 = arith.constant 1 : i32
        %jit3A_340 = arith.constant 0 : i32
        %broadcast_in_dim3A_341 = vector.broadcast %jit3A_339 : i32 to vector<16xi32>
        %broadcast_in_dim3A_342 = vector.broadcast %jit3A_340 : i32 to vector<16xi32>
        %select_n3A_343 = arith.select %gt3A_338, %broadcast_in_dim3A_341, %broadcast_in_dim3A_342 : vector<16xi1>, vector<16xi32>
        %add3A_344 = arith.addi %add3A_335, %select_n3A_343 : vector<16xi32>
        %get3A_345 = arith.constant 288 : index
        %get3A_346 = tpu.vector_load %arg9[%get3A_345] {strides = array<i32>} : memref<512xf32, #tpu.memory_space<vmem>>, vector<16xf32>,
        %gt3A_347 = arith.cmpf ogt, %get3A_346, %bitcast3A_181 : vector<16xf32>
        %jit3A_348 = arith.constant 1 : i32
        %jit3A_349 = arith.constant 0 : i32
        %broadcast_in_dim3A_350 = vector.broadcast %jit3A_348 : i32 to vector<16xi32>
        %broadcast_in_dim3A_351 = vector.broadcast %jit3A_349 : i32 to vector<16xi32>
        %select_n3A_352 = arith.select %gt3A_347, %broadcast_in_dim3A_350, %broadcast_in_dim3A_351 : vector<16xi1>, vector<16xi32>
        %add3A_353 = arith.addi %add3A_344, %select_n3A_352 : vector<16xi32>
        %get3A_354 = arith.constant 304 : index
        %get3A_355 = tpu.vector_load %arg9[%get3A_354] {strides = array<i32>} : memref<512xf32, #tpu.memory_space<vmem>>, vector<16xf32>,
        %gt3A_356 = arith.cmpf ogt, %get3A_355, %bitcast3A_181 : vector<16xf32>
        %jit3A_357 = arith.constant 1 : i32
        %jit3A_358 = arith.constant 0 : i32
        %broadcast_in_dim3A_359 = vector.broadcast %jit3A_357 : i32 to vector<16xi32>
        %broadcast_in_dim3A_360 = vector.broadcast %jit3A_358 : i32 to vector<16xi32>
        %select_n3A_361 = arith.select %gt3A_356, %broadcast_in_dim3A_359, %broadcast_in_dim3A_360 : vector<16xi1>, vector<16xi32>
        %add3A_362 = arith.addi %add3A_353, %select_n3A_361 : vector<16xi32>
        %get3A_363 = arith.constant 320 : index
        %get3A_364 = tpu.vector_load %arg9[%get3A_363] {strides = array<i32>} : memref<512xf32, #tpu.memory_space<vmem>>, vector<16xf32>,
        %gt3A_365 = arith.cmpf ogt, %get3A_364, %bitcast3A_181 : vector<16xf32>
        %jit3A_366 = arith.constant 1 : i32
        %jit3A_367 = arith.constant 0 : i32
        %broadcast_in_dim3A_368 = vector.broadcast %jit3A_366 : i32 to vector<16xi32>
        %broadcast_in_dim3A_369 = vector.broadcast %jit3A_367 : i32 to vector<16xi32>
        %select_n3A_370 = arith.select %gt3A_365, %broadcast_in_dim3A_368, %broadcast_in_dim3A_369 : vector<16xi1>, vector<16xi32>
        %add3A_371 = arith.addi %add3A_362, %select_n3A_370 : vector<16xi32>
        %get3A_372 = arith.constant 336 : index
        %get3A_373 = tpu.vector_load %arg9[%get3A_372] {strides = array<i32>} : memref<512xf32, #tpu.memory_space<vmem>>, vector<16xf32>,
        %gt3A_374 = arith.cmpf ogt, %get3A_373, %bitcast3A_181 : vector<16xf32>
        %jit3A_375 = arith.constant 1 : i32
        %jit3A_376 = arith.constant 0 : i32
        %broadcast_in_dim3A_377 = vector.broadcast %jit3A_375 : i32 to vector<16xi32>
        %broadcast_in_dim3A_378 = vector.broadcast %jit3A_376 : i32 to vector<16xi32>
        %select_n3A_379 = arith.select %gt3A_374, %broadcast_in_dim3A_377, %broadcast_in_dim3A_378 : vector<16xi1>, vector<16xi32>
        %add3A_380 = arith.addi %add3A_371, %select_n3A_379 : vector<16xi32>
        %get3A_381 = arith.constant 352 : index
        %get3A_382 = tpu.vector_load %arg9[%get3A_381] {strides = array<i32>} : memref<512xf32, #tpu.memory_space<vmem>>, vector<16xf32>,
        %gt3A_383 = arith.cmpf ogt, %get3A_382, %bitcast3A_181 : vector<16xf32>
        %jit3A_384 = arith.constant 1 : i32
        %jit3A_385 = arith.constant 0 : i32
        %broadcast_in_dim3A_386 = vector.broadcast %jit3A_384 : i32 to vector<16xi32>
        %broadcast_in_dim3A_387 = vector.broadcast %jit3A_385 : i32 to vector<16xi32>
        %select_n3A_388 = arith.select %gt3A_383, %broadcast_in_dim3A_386, %broadcast_in_dim3A_387 : vector<16xi1>, vector<16xi32>
        %add3A_389 = arith.addi %add3A_380, %select_n3A_388 : vector<16xi32>
        %get3A_390 = arith.constant 368 : index
        %get3A_391 = tpu.vector_load %arg9[%get3A_390] {strides = array<i32>} : memref<512xf32, #tpu.memory_space<vmem>>, vector<16xf32>,
        %gt3A_392 = arith.cmpf ogt, %get3A_391, %bitcast3A_181 : vector<16xf32>
        %jit3A_393 = arith.constant 1 : i32
        %jit3A_394 = arith.constant 0 : i32
        %broadcast_in_dim3A_395 = vector.broadcast %jit3A_393 : i32 to vector<16xi32>
        %broadcast_in_dim3A_396 = vector.broadcast %jit3A_394 : i32 to vector<16xi32>
        %select_n3A_397 = arith.select %gt3A_392, %broadcast_in_dim3A_395, %broadcast_in_dim3A_396 : vector<16xi1>, vector<16xi32>
        %add3A_398 = arith.addi %add3A_389, %select_n3A_397 : vector<16xi32>
        %get3A_399 = arith.constant 384 : index
        %get3A_400 = tpu.vector_load %arg9[%get3A_399] {strides = array<i32>} : memref<512xf32, #tpu.memory_space<vmem>>, vector<16xf32>,
        %gt3A_401 = arith.cmpf ogt, %get3A_400, %bitcast3A_181 : vector<16xf32>
        %jit3A_402 = arith.constant 1 : i32
        %jit3A_403 = arith.constant 0 : i32
        %broadcast_in_dim3A_404 = vector.broadcast %jit3A_402 : i32 to vector<16xi32>
        %broadcast_in_dim3A_405 = vector.broadcast %jit3A_403 : i32 to vector<16xi32>
        %select_n3A_406 = arith.select %gt3A_401, %broadcast_in_dim3A_404, %broadcast_in_dim3A_405 : vector<16xi1>, vector<16xi32>
        %add3A_407 = arith.addi %add3A_398, %select_n3A_406 : vector<16xi32>
        %get3A_408 = arith.constant 400 : index
        %get3A_409 = tpu.vector_load %arg9[%get3A_408] {strides = array<i32>} : memref<512xf32, #tpu.memory_space<vmem>>, vector<16xf32>,
        %gt3A_410 = arith.cmpf ogt, %get3A_409, %bitcast3A_181 : vector<16xf32>
        %jit3A_411 = arith.constant 1 : i32
        %jit3A_412 = arith.constant 0 : i32
        %broadcast_in_dim3A_413 = vector.broadcast %jit3A_411 : i32 to vector<16xi32>
        %broadcast_in_dim3A_414 = vector.broadcast %jit3A_412 : i32 to vector<16xi32>
        %select_n3A_415 = arith.select %gt3A_410, %broadcast_in_dim3A_413, %broadcast_in_dim3A_414 : vector<16xi1>, vector<16xi32>
        %add3A_416 = arith.addi %add3A_407, %select_n3A_415 : vector<16xi32>
        %get3A_417 = arith.constant 416 : index
        %get3A_418 = tpu.vector_load %arg9[%get3A_417] {strides = array<i32>} : memref<512xf32, #tpu.memory_space<vmem>>, vector<16xf32>,
        %gt3A_419 = arith.cmpf ogt, %get3A_418, %bitcast3A_181 : vector<16xf32>
        %jit3A_420 = arith.constant 1 : i32
        %jit3A_421 = arith.constant 0 : i32
        %broadcast_in_dim3A_422 = vector.broadcast %jit3A_420 : i32 to vector<16xi32>
        %broadcast_in_dim3A_423 = vector.broadcast %jit3A_421 : i32 to vector<16xi32>
        %select_n3A_424 = arith.select %gt3A_419, %broadcast_in_dim3A_422, %broadcast_in_dim3A_423 : vector<16xi1>, vector<16xi32>
        %add3A_425 = arith.addi %add3A_416, %select_n3A_424 : vector<16xi32>
        %get3A_426 = arith.constant 432 : index
        %get3A_427 = tpu.vector_load %arg9[%get3A_426] {strides = array<i32>} : memref<512xf32, #tpu.memory_space<vmem>>, vector<16xf32>,
        %gt3A_428 = arith.cmpf ogt, %get3A_427, %bitcast3A_181 : vector<16xf32>
        %jit3A_429 = arith.constant 1 : i32
        %jit3A_430 = arith.constant 0 : i32
        %broadcast_in_dim3A_431 = vector.broadcast %jit3A_429 : i32 to vector<16xi32>
        %broadcast_in_dim3A_432 = vector.broadcast %jit3A_430 : i32 to vector<16xi32>
        %select_n3A_433 = arith.select %gt3A_428, %broadcast_in_dim3A_431, %broadcast_in_dim3A_432 : vector<16xi1>, vector<16xi32>
        %add3A_434 = arith.addi %add3A_425, %select_n3A_433 : vector<16xi32>
        %get3A_435 = arith.constant 448 : index
        %get3A_436 = tpu.vector_load %arg9[%get3A_435] {strides = array<i32>} : memref<512xf32, #tpu.memory_space<vmem>>, vector<16xf32>,
        %gt3A_437 = arith.cmpf ogt, %get3A_436, %bitcast3A_181 : vector<16xf32>
        %jit3A_438 = arith.constant 1 : i32
        %jit3A_439 = arith.constant 0 : i32
        %broadcast_in_dim3A_440 = vector.broadcast %jit3A_438 : i32 to vector<16xi32>
        %broadcast_in_dim3A_441 = vector.broadcast %jit3A_439 : i32 to vector<16xi32>
        %select_n3A_442 = arith.select %gt3A_437, %broadcast_in_dim3A_440, %broadcast_in_dim3A_441 : vector<16xi1>, vector<16xi32>
        %add3A_443 = arith.addi %add3A_434, %select_n3A_442 : vector<16xi32>
        %get3A_444 = arith.constant 464 : index
        %get3A_445 = tpu.vector_load %arg9[%get3A_444] {strides = array<i32>} : memref<512xf32, #tpu.memory_space<vmem>>, vector<16xf32>,
        %gt3A_446 = arith.cmpf ogt, %get3A_445, %bitcast3A_181 : vector<16xf32>
        %jit3A_447 = arith.constant 1 : i32
        %jit3A_448 = arith.constant 0 : i32
        %broadcast_in_dim3A_449 = vector.broadcast %jit3A_447 : i32 to vector<16xi32>
        %broadcast_in_dim3A_450 = vector.broadcast %jit3A_448 : i32 to vector<16xi32>
        %select_n3A_451 = arith.select %gt3A_446, %broadcast_in_dim3A_449, %broadcast_in_dim3A_450 : vector<16xi1>, vector<16xi32>
        %add3A_452 = arith.addi %add3A_443, %select_n3A_451 : vector<16xi32>
        %get3A_453 = arith.constant 480 : index
        %get3A_454 = tpu.vector_load %arg9[%get3A_453] {strides = array<i32>} : memref<512xf32, #tpu.memory_space<vmem>>, vector<16xf32>,
        %gt3A_455 = arith.cmpf ogt, %get3A_454, %bitcast3A_181 : vector<16xf32>
        %jit3A_456 = arith.constant 1 : i32
        %jit3A_457 = arith.constant 0 : i32
        %broadcast_in_dim3A_458 = vector.broadcast %jit3A_456 : i32 to vector<16xi32>
        %broadcast_in_dim3A_459 = vector.broadcast %jit3A_457 : i32 to vector<16xi32>
        %select_n3A_460 = arith.select %gt3A_455, %broadcast_in_dim3A_458, %broadcast_in_dim3A_459 : vector<16xi1>, vector<16xi32>
        %add3A_461 = arith.addi %add3A_452, %select_n3A_460 : vector<16xi32>
        %get3A_462 = arith.constant 496 : index
        %get3A_463 = tpu.vector_load %arg9[%get3A_462] {strides = array<i32>} : memref<512xf32, #tpu.memory_space<vmem>>, vector<16xf32>,
        %gt3A_464 = arith.cmpf ogt, %get3A_463, %bitcast3A_181 : vector<16xf32>
        %jit3A_465 = arith.constant 1 : i32
        %jit3A_466 = arith.constant 0 : i32
        %broadcast_in_dim3A_467 = vector.broadcast %jit3A_465 : i32 to vector<16xi32>
        %broadcast_in_dim3A_468 = vector.broadcast %jit3A_466 : i32 to vector<16xi32>
        %select_n3A_469 = arith.select %gt3A_464, %broadcast_in_dim3A_467, %broadcast_in_dim3A_468 : vector<16xi1>, vector<16xi32>
        %add3A_470 = arith.addi %add3A_461, %select_n3A_469 : vector<16xi32>
        %iota3A_471 = tpu.iota {dimensions = array<i32: 0>} : vector<16xi32>
        %xor3A_472 = arith.constant 1 : i32
        %xor3A_473 = vector.broadcast %xor3A_472 : i32 to vector<16xi32>
        %xor3A_474 = arith.xori %iota3A_471, %xor3A_473 : vector<16xi32>
        %broadcast_in_dim3A_475 = vector.shape_cast %xor3A_474 : vector<16xi32> to vector<16x1xi32>
        %gather3A_476 = vector.shape_cast %broadcast_in_dim3A_475 : vector<16x1xi32> to vector<16xi32>
        %gather3A_477 = tpu.dynamic_gather %add3A_470[%gather3A_476] in [0] : vector<16xi32>, vector<16xi32> -> vector<16xi32>
        %add3A_478 = arith.addi %add3A_470, %gather3A_477 : vector<16xi32>
        %xor3A_479 = arith.constant 2 : i32
        %xor3A_480 = vector.broadcast %xor3A_479 : i32 to vector<16xi32>
        %xor3A_481 = arith.xori %iota3A_471, %xor3A_480 : vector<16xi32>
        %broadcast_in_dim3A_482 = vector.shape_cast %xor3A_481 : vector<16xi32> to vector<16x1xi32>
        %gather3A_483 = vector.shape_cast %broadcast_in_dim3A_482 : vector<16x1xi32> to vector<16xi32>
        %gather3A_484 = tpu.dynamic_gather %add3A_478[%gather3A_483] in [0] : vector<16xi32>, vector<16xi32> -> vector<16xi32>
        %add3A_485 = arith.addi %add3A_478, %gather3A_484 : vector<16xi32>
        %xor3A_486 = arith.constant 4 : i32
        %xor3A_487 = vector.broadcast %xor3A_486 : i32 to vector<16xi32>
        %xor3A_488 = arith.xori %iota3A_471, %xor3A_487 : vector<16xi32>
        %broadcast_in_dim3A_489 = vector.shape_cast %xor3A_488 : vector<16xi32> to vector<16x1xi32>
        %gather3A_490 = vector.shape_cast %broadcast_in_dim3A_489 : vector<16x1xi32> to vector<16xi32>
        %gather3A_491 = tpu.dynamic_gather %add3A_485[%gather3A_490] in [0] : vector<16xi32>, vector<16xi32> -> vector<16xi32>
        %add3A_492 = arith.addi %add3A_485, %gather3A_491 : vector<16xi32>
        %xor3A_493 = arith.constant 8 : i32
        %xor3A_494 = vector.broadcast %xor3A_493 : i32 to vector<16xi32>
        %xor3A_495 = arith.xori %iota3A_471, %xor3A_494 : vector<16xi32>
        %broadcast_in_dim3A_496 = vector.shape_cast %xor3A_495 : vector<16xi32> to vector<16x1xi32>
        %gather3A_497 = vector.shape_cast %broadcast_in_dim3A_496 : vector<16x1xi32> to vector<16xi32>
        %gather3A_498 = tpu.dynamic_gather %add3A_492[%gather3A_497] in [0] : vector<16xi32>, vector<16xi32> -> vector<16xi32>
        %add3A_499 = arith.addi %add3A_492, %gather3A_498 : vector<16xi32>
        %gt3A_500 = arith.cmpi sgt, %add3A_499, %broadcast_in_dim3A_86 : vector<16xi32>
        %add3A_501 = arith.constant 1 : i32
        %add3A_502 = vector.broadcast %add3A_501 : i32 to vector<16xi32>
        %add3A_503 = arith.addi %add3A_180, %add3A_502 : vector<16xi32>
        %select_n3A_504 = arith.select %gt3A_500, %add3A_503, %scan3A_175 : vector<16xi1>, vector<16xi32>
        %select_n3A_505 = arith.select %gt3A_500, %scan3A_176, %add3A_180 : vector<16xi1>, vector<16xi32>
        scf.yield %select_n3A_504, %select_n3A_505 : vector<16xi32>, vector<16xi32>
      }
      %scan3A_96 = arith.constant 31 : i32
      %bitcast3A = vector.bitcast %scan3A_95#0 : vector<16xi32> to vector<16xf32>
      %broadcast_in_dim3A_97 = arith.constant 0.000000e+00 : f32
      %broadcast_in_dim3A_98 = vector.broadcast %broadcast_in_dim3A_97 : f32 to vector<16xf32>
      %broadcast_in_dim3A_99 = arith.constant 0 : i32
      %broadcast_in_dim3A_100 = vector.broadcast %broadcast_in_dim3A_99 : i32 to vector<16xi32>
      %scan3A_101 = arith.constant 0 : i32
      %scan3A_102 = arith.constant 32 : i32
      %scan3A_103 = arith.addi %scan3A_101, %scan3A_102 : i32
      %scan3A_104 = arith.constant 1 : i32
      %scan3A_105:2 = scf.for %scan3A_174 = %scan3A_101 to %scan3A_103 step %scan3A_104 iter_args(%scan3A_175 = %broadcast_in_dim3A_98, %scan3A_176 = %broadcast_in_dim3A_100) -> (vector<16xf32>, vector<16xi32>)  : i32 {
        %mul3A_177 = arith.constant 16 : i32
        %mul3A_178 = arith.muli %scan3A_174, %mul3A_177 : i32
        %get3A_179 = arith.index_cast %mul3A_178 : i32 to index
        %get3A_180 = tpu.vector_load %arg9[%get3A_179] {strides = array<i32>} : memref<512xf32, #tpu.memory_space<vmem>>, vector<16xf32>,
        %gt3A = arith.cmpf ogt, %get3A_180, %bitcast3A : vector<16xf32>
        %jit3A_181 = arith.constant 0.000000e+00 : f32
        %broadcast_in_dim3A_182 = vector.broadcast %jit3A_181 : f32 to vector<16xf32>
        %select_n3A_183 = arith.select %gt3A, %get3A_180, %broadcast_in_dim3A_182 : vector<16xi1>, vector<16xf32>
        %add3A_184 = arith.addf %scan3A_175, %select_n3A_183 : vector<16xf32>
        %jit3A_185 = arith.constant 1 : i32
        %jit3A_186 = arith.constant 0 : i32
        %broadcast_in_dim3A_187 = vector.broadcast %jit3A_185 : i32 to vector<16xi32>
        %broadcast_in_dim3A_188 = vector.broadcast %jit3A_186 : i32 to vector<16xi32>
        %select_n3A_189 = arith.select %gt3A, %broadcast_in_dim3A_187, %broadcast_in_dim3A_188 : vector<16xi1>, vector<16xi32>
        %add3A_190 = arith.addi %scan3A_176, %select_n3A_189 : vector<16xi32>
        scf.yield %add3A_184, %add3A_190 : vector<16xf32>, vector<16xi32>
      }
      %scan3A_106 = arith.constant 32 : i32
      %iota3A_107 = tpu.iota {dimensions = array<i32: 0>} : vector<16xi32>
      %xor3A_108 = arith.constant 1 : i32
      %xor3A_109 = vector.broadcast %xor3A_108 : i32 to vector<16xi32>
      %xor3A_110 = arith.xori %iota3A_107, %xor3A_109 : vector<16xi32>
      %broadcast_in_dim3A_111 = vector.shape_cast %xor3A_110 : vector<16xi32> to vector<16x1xi32>
      %gather3A_112 = vector.shape_cast %broadcast_in_dim3A_111 : vector<16x1xi32> to vector<16xi32>
      %gather3A_113 = tpu.dynamic_gather %scan3A_105#0[%gather3A_112] in [0] : vector<16xf32>, vector<16xi32> -> vector<16xf32>
      %add3A_114 = arith.addf %scan3A_105#0, %gather3A_113 : vector<16xf32>
      %xor3A_115 = arith.constant 2 : i32
      %xor3A_116 = vector.broadcast %xor3A_115 : i32 to vector<16xi32>
      %xor3A_117 = arith.xori %iota3A_107, %xor3A_116 : vector<16xi32>
      %broadcast_in_dim3A_118 = vector.shape_cast %xor3A_117 : vector<16xi32> to vector<16x1xi32>
      %gather3A_119 = vector.shape_cast %broadcast_in_dim3A_118 : vector<16x1xi32> to vector<16xi32>
      %gather3A_120 = tpu.dynamic_gather %add3A_114[%gather3A_119] in [0] : vector<16xf32>, vector<16xi32> -> vector<16xf32>
      %add3A_121 = arith.addf %add3A_114, %gather3A_120 : vector<16xf32>
      %xor3A_122 = arith.constant 4 : i32
      %xor3A_123 = vector.broadcast %xor3A_122 : i32 to vector<16xi32>
      %xor3A_124 = arith.xori %iota3A_107, %xor3A_123 : vector<16xi32>
      %broadcast_in_dim3A_125 = vector.shape_cast %xor3A_124 : vector<16xi32> to vector<16x1xi32>
      %gather3A_126 = vector.shape_cast %broadcast_in_dim3A_125 : vector<16x1xi32> to vector<16xi32>
      %gather3A_127 = tpu.dynamic_gather %add3A_121[%gather3A_126] in [0] : vector<16xf32>, vector<16xi32> -> vector<16xf32>
      %add3A_128 = arith.addf %add3A_121, %gather3A_127 : vector<16xf32>
      %xor3A_129 = arith.constant 8 : i32
      %xor3A_130 = vector.broadcast %xor3A_129 : i32 to vector<16xi32>
      %xor3A_131 = arith.xori %iota3A_107, %xor3A_130 : vector<16xi32>
      %broadcast_in_dim3A_132 = vector.shape_cast %xor3A_131 : vector<16xi32> to vector<16x1xi32>
      %gather3A_133 = vector.shape_cast %broadcast_in_dim3A_132 : vector<16x1xi32> to vector<16xi32>
      %gather3A_134 = tpu.dynamic_gather %add3A_128[%gather3A_133] in [0] : vector<16xf32>, vector<16xi32> -> vector<16xf32>
      %add3A_135 = arith.addf %add3A_128, %gather3A_134 : vector<16xf32>
      %iota3A_136 = tpu.iota {dimensions = array<i32: 0>} : vector<16xi32>
      %xor3A_137 = arith.constant 1 : i32
      %xor3A_138 = vector.broadcast %xor3A_137 : i32 to vector<16xi32>
      %xor3A_139 = arith.xori %iota3A_136, %xor3A_138 : vector<16xi32>
      %broadcast_in_dim3A_140 = vector.shape_cast %xor3A_139 : vector<16xi32> to vector<16x1xi32>
      %gather3A_141 = vector.shape_cast %broadcast_in_dim3A_140 : vector<16x1xi32> to vector<16xi32>
      %gather3A_142 = tpu.dynamic_gather %scan3A_105#1[%gather3A_141] in [0] : vector<16xi32>, vector<16xi32> -> vector<16xi32>
      %add3A_143 = arith.addi %scan3A_105#1, %gather3A_142 : vector<16xi32>
      %xor3A_144 = arith.constant 2 : i32
      %xor3A_145 = vector.broadcast %xor3A_144 : i32 to vector<16xi32>
      %xor3A_146 = arith.xori %iota3A_136, %xor3A_145 : vector<16xi32>
      %broadcast_in_dim3A_147 = vector.shape_cast %xor3A_146 : vector<16xi32> to vector<16x1xi32>
      %gather3A_148 = vector.shape_cast %broadcast_in_dim3A_147 : vector<16x1xi32> to vector<16xi32>
      %gather3A_149 = tpu.dynamic_gather %add3A_143[%gather3A_148] in [0] : vector<16xi32>, vector<16xi32> -> vector<16xi32>
      %add3A_150 = arith.addi %add3A_143, %gather3A_149 : vector<16xi32>
      %xor3A_151 = arith.constant 4 : i32
      %xor3A_152 = vector.broadcast %xor3A_151 : i32 to vector<16xi32>
      %xor3A_153 = arith.xori %iota3A_136, %xor3A_152 : vector<16xi32>
      %broadcast_in_dim3A_154 = vector.shape_cast %xor3A_153 : vector<16xi32> to vector<16x1xi32>
      %gather3A_155 = vector.shape_cast %broadcast_in_dim3A_154 : vector<16x1xi32> to vector<16xi32>
      %gather3A_156 = tpu.dynamic_gather %add3A_150[%gather3A_155] in [0] : vector<16xi32>, vector<16xi32> -> vector<16xi32>
      %add3A_157 = arith.addi %add3A_150, %gather3A_156 : vector<16xi32>
      %xor3A_158 = arith.constant 8 : i32
      %xor3A_159 = vector.broadcast %xor3A_158 : i32 to vector<16xi32>
      %xor3A_160 = arith.xori %iota3A_136, %xor3A_159 : vector<16xi32>
      %broadcast_in_dim3A_161 = vector.shape_cast %xor3A_160 : vector<16xi32> to vector<16x1xi32>
      %gather3A_162 = vector.shape_cast %broadcast_in_dim3A_161 : vector<16x1xi32> to vector<16xi32>
      %gather3A_163 = tpu.dynamic_gather %add3A_157[%gather3A_162] in [0] : vector<16xi32>, vector<16xi32> -> vector<16xi32>
      %add3A_164 = arith.addi %add3A_157, %gather3A_163 : vector<16xi32>
      %broadcast_in_dim3A_165 = arith.constant 51 : i32
      %broadcast_in_dim3A_166 = vector.broadcast %broadcast_in_dim3A_165 : i32 to vector<16xi32>
      %sub3A_167 = arith.subi %broadcast_in_dim3A_166, %add3A_164 : vector<16xi32>
      %convert_element_type3A_168 = arith.sitofp %sub3A_167 : vector<16xi32> to vector<16xf32>
      %mul3A = arith.mulf %convert_element_type3A_168, %bitcast3A : vector<16xf32>
      %add3A_169 = arith.addf %add3A_135, %mul3A : vector<16xf32>
      %sub3A_170 = arith.subf %add3A_55, %add3A_169 : vector<16xf32>
      %add3A_171 = arith.addf %sub3A_170, %add3A_84 : vector<16xf32>
      %swap3A_172 = arith.constant 0 : index
      %swap3A_173 = tpu.vector_load %arg10[%swap3A_172] {strides = array<i32>} : memref<16xf32, #tpu.memory_space<vmem>>, vector<16xf32>,
      tpu.vector_store %arg10[%swap3A_172], %add3A_171 {strides = array<i32>} : memref<16xf32, #tpu.memory_space<vmem>>, vector<16xf32>,
      "tpu.region"() ({
        %run_scoped3A_174 = tpu.sem_alloc : memref<!tpu.dma_semaphore, #tpu.memory_space<semaphore_mem>>
        %dma_start3A = arith.constant 0 : i32
        %dma_start3A_175 = tpu.memref_slice %arg5[%arg1, %dma_start3A] : memref<4x16xf32, #tpu.memory_space<hbm>> -> memref<1x16xf32, #tpu.memory_space<hbm>>
        %dma_start3A_176 = tpu.memref_squeeze %dma_start3A_175 : memref<1x16xf32, #tpu.memory_space<hbm>> -> memref<16xf32, #tpu.memory_space<hbm>>
        %dma_start3A_177 = arith.constant 0 : i32
        %dma_start3A_178 = tpu.memref_slice %arg5[%arg1, %dma_start3A_177] : memref<4x16xf32, #tpu.memory_space<hbm>> -> memref<1x16xf32, #tpu.memory_space<hbm>>
        %dma_start3A_179 = tpu.memref_squeeze %dma_start3A_178 : memref<1x16xf32, #tpu.memory_space<hbm>> -> memref<16xf32, #tpu.memory_space<hbm>>
        tpu.enqueue_dma source(%arg10 : memref<16xf32, #tpu.memory_space<vmem>>) target(%dma_start3A_179 : memref<16xf32, #tpu.memory_space<hbm>>) target_semaphore(%run_scoped3A_174 : memref<!tpu.dma_semaphore, #tpu.memory_space<semaphore_mem>>)
        %dma_wait3A = arith.constant 0 : i32
        %dma_wait3A_180 = tpu.memref_slice %arg5[%arg1, %dma_wait3A] : memref<4x16xf32, #tpu.memory_space<hbm>> -> memref<1x16xf32, #tpu.memory_space<hbm>>
        %dma_wait3A_181 = tpu.memref_squeeze %dma_wait3A_180 : memref<1x16xf32, #tpu.memory_space<hbm>> -> memref<16xf32, #tpu.memory_space<hbm>>
        %dma_wait3A_182 = arith.constant 0 : i32
        %dma_wait3A_183 = tpu.memref_slice %arg5[%arg1, %dma_wait3A_182] : memref<4x16xf32, #tpu.memory_space<hbm>> -> memref<1x16xf32, #tpu.memory_space<hbm>>
        %dma_wait3A_184 = tpu.memref_squeeze %dma_wait3A_183 : memref<1x16xf32, #tpu.memory_space<hbm>> -> memref<16xf32, #tpu.memory_space<hbm>>
        tpu.wait_dma2 semaphore(%run_scoped3A_174 : memref<!tpu.dma_semaphore, #tpu.memory_space<semaphore_mem>>) src(%arg10 : memref<16xf32, #tpu.memory_space<vmem>>) dst(%dma_wait3A_184 : memref<16xf32, #tpu.memory_space<hbm>>)
        tpu.yield
      }) : () -> ()
    } else {
    }
    return
  }
}

module attributes {stable_mosaic.version = 14 : i64} {
  func.func @_mv_body(%arg0: i32, %arg1: i32, %arg2: memref<4x16384xf32, #tpu.memory_space<vmem>>, %arg3: memref<1x128x16384xf32, #tpu.memory_space<vmem>>, %arg4: memref<1x1x512xf32, #tpu.memory_space<vmem>>) attributes {dimension_semantics = [#tpu.dimension_semantics<arbitrary>, #tpu.dimension_semantics<arbitrary>], iteration_bounds = array<i64: 4, 4>, scalar_prefetch = 0 : i64, scratch_operands = 0 : i64, tpu.core_type = #tpu.core_type<tc>, window_params = [{pipeline_mode = #tpu.pipeline_mode<synchronous>, transform_indices = @transform_0, window_bounds = array<i64: 4, 16384>}, {transform_indices = @transform_1, window_bounds = array<i64: 1, 128, 16384>}, {transform_indices = @transform_2, window_bounds = array<i64: 1, 1, 512>}]} {
    %get3A = arith.constant 0 : index
    %get3A_0 = arith.constant 0 : index
    %get3A_1 = arith.constant 0 : index
    %get3A_2 = vector.load %arg3[%get3A, %get3A_0, %get3A_1] : memref<1x128x16384xf32, #tpu.memory_space<vmem>>, vector<1x128x16384xf32>
    %get3A_3 = vector.shape_cast %get3A_2 : vector<1x128x16384xf32> to vector<128x16384xf32>
    %get3A_4 = arith.index_cast %arg0 : i32 to index
    %get3A_5 = arith.constant 0 : index
    %get3A_6 = vector.load %arg2[%get3A_4, %get3A_5] : memref<4x16384xf32, #tpu.memory_space<vmem>>, vector<1x16384xf32>
    %broadcast_in_dim3A = arith.constant 0.000000e+00 : f32
    %broadcast_in_dim3A_7 = vector.broadcast %broadcast_in_dim3A : f32 to vector<128x128xf32>
    %slice3A = vector.extract_strided_slice %get3A_3 {offsets = [0, 0], sizes = [128, 128], strides = [1, 1]} : vector<128x16384xf32> to vector<128x128xf32>
    %slice3A_8 = vector.extract_strided_slice %get3A_6 {offsets = [0, 0], sizes = [1, 128], strides = [1, 1]} : vector<1x16384xf32> to vector<1x128xf32>
    %mul3A = vector.broadcast %slice3A_8 : vector<1x128xf32> to vector<128x128xf32>
    %mul3A_9 = arith.mulf %slice3A, %mul3A : vector<128x128xf32>
    %add3A = arith.addf %broadcast_in_dim3A_7, %mul3A_9 : vector<128x128xf32>
    %slice3A_10 = vector.extract_strided_slice %get3A_3 {offsets = [0, 128], sizes = [128, 128], strides = [1, 1]} : vector<128x16384xf32> to vector<128x128xf32>
    %slice3A_11 = vector.extract_strided_slice %get3A_6 {offsets = [0, 128], sizes = [1, 128], strides = [1, 1]} : vector<1x16384xf32> to vector<1x128xf32>
    %mul3A_12 = vector.broadcast %slice3A_11 : vector<1x128xf32> to vector<128x128xf32>
    %mul3A_13 = arith.mulf %slice3A_10, %mul3A_12 : vector<128x128xf32>
    %add3A_14 = arith.addf %add3A, %mul3A_13 : vector<128x128xf32>
    %slice3A_15 = vector.extract_strided_slice %get3A_3 {offsets = [0, 256], sizes = [128, 128], strides = [1, 1]} : vector<128x16384xf32> to vector<128x128xf32>
    %slice3A_16 = vector.extract_strided_slice %get3A_6 {offsets = [0, 256], sizes = [1, 128], strides = [1, 1]} : vector<1x16384xf32> to vector<1x128xf32>
    %mul3A_17 = vector.broadcast %slice3A_16 : vector<1x128xf32> to vector<128x128xf32>
    %mul3A_18 = arith.mulf %slice3A_15, %mul3A_17 : vector<128x128xf32>
    %add3A_19 = arith.addf %add3A_14, %mul3A_18 : vector<128x128xf32>
    %slice3A_20 = vector.extract_strided_slice %get3A_3 {offsets = [0, 384], sizes = [128, 128], strides = [1, 1]} : vector<128x16384xf32> to vector<128x128xf32>
    %slice3A_21 = vector.extract_strided_slice %get3A_6 {offsets = [0, 384], sizes = [1, 128], strides = [1, 1]} : vector<1x16384xf32> to vector<1x128xf32>
    %mul3A_22 = vector.broadcast %slice3A_21 : vector<1x128xf32> to vector<128x128xf32>
    %mul3A_23 = arith.mulf %slice3A_20, %mul3A_22 : vector<128x128xf32>
    %add3A_24 = arith.addf %add3A_19, %mul3A_23 : vector<128x128xf32>
    %slice3A_25 = vector.extract_strided_slice %get3A_3 {offsets = [0, 512], sizes = [128, 128], strides = [1, 1]} : vector<128x16384xf32> to vector<128x128xf32>
    %slice3A_26 = vector.extract_strided_slice %get3A_6 {offsets = [0, 512], sizes = [1, 128], strides = [1, 1]} : vector<1x16384xf32> to vector<1x128xf32>
    %mul3A_27 = vector.broadcast %slice3A_26 : vector<1x128xf32> to vector<128x128xf32>
    %mul3A_28 = arith.mulf %slice3A_25, %mul3A_27 : vector<128x128xf32>
    %add3A_29 = arith.addf %add3A_24, %mul3A_28 : vector<128x128xf32>
    %slice3A_30 = vector.extract_strided_slice %get3A_3 {offsets = [0, 640], sizes = [128, 128], strides = [1, 1]} : vector<128x16384xf32> to vector<128x128xf32>
    %slice3A_31 = vector.extract_strided_slice %get3A_6 {offsets = [0, 640], sizes = [1, 128], strides = [1, 1]} : vector<1x16384xf32> to vector<1x128xf32>
    %mul3A_32 = vector.broadcast %slice3A_31 : vector<1x128xf32> to vector<128x128xf32>
    %mul3A_33 = arith.mulf %slice3A_30, %mul3A_32 : vector<128x128xf32>
    %add3A_34 = arith.addf %add3A_29, %mul3A_33 : vector<128x128xf32>
    %slice3A_35 = vector.extract_strided_slice %get3A_3 {offsets = [0, 768], sizes = [128, 128], strides = [1, 1]} : vector<128x16384xf32> to vector<128x128xf32>
    %slice3A_36 = vector.extract_strided_slice %get3A_6 {offsets = [0, 768], sizes = [1, 128], strides = [1, 1]} : vector<1x16384xf32> to vector<1x128xf32>
    %mul3A_37 = vector.broadcast %slice3A_36 : vector<1x128xf32> to vector<128x128xf32>
    %mul3A_38 = arith.mulf %slice3A_35, %mul3A_37 : vector<128x128xf32>
    %add3A_39 = arith.addf %add3A_34, %mul3A_38 : vector<128x128xf32>
    %slice3A_40 = vector.extract_strided_slice %get3A_3 {offsets = [0, 896], sizes = [128, 128], strides = [1, 1]} : vector<128x16384xf32> to vector<128x128xf32>
    %slice3A_41 = vector.extract_strided_slice %get3A_6 {offsets = [0, 896], sizes = [1, 128], strides = [1, 1]} : vector<1x16384xf32> to vector<1x128xf32>
    %mul3A_42 = vector.broadcast %slice3A_41 : vector<1x128xf32> to vector<128x128xf32>
    %mul3A_43 = arith.mulf %slice3A_40, %mul3A_42 : vector<128x128xf32>
    %add3A_44 = arith.addf %add3A_39, %mul3A_43 : vector<128x128xf32>
    %slice3A_45 = vector.extract_strided_slice %get3A_3 {offsets = [0, 1024], sizes = [128, 128], strides = [1, 1]} : vector<128x16384xf32> to vector<128x128xf32>
    %slice3A_46 = vector.extract_strided_slice %get3A_6 {offsets = [0, 1024], sizes = [1, 128], strides = [1, 1]} : vector<1x16384xf32> to vector<1x128xf32>
    %mul3A_47 = vector.broadcast %slice3A_46 : vector<1x128xf32> to vector<128x128xf32>
    %mul3A_48 = arith.mulf %slice3A_45, %mul3A_47 : vector<128x128xf32>
    %add3A_49 = arith.addf %add3A_44, %mul3A_48 : vector<128x128xf32>
    %slice3A_50 = vector.extract_strided_slice %get3A_3 {offsets = [0, 1152], sizes = [128, 128], strides = [1, 1]} : vector<128x16384xf32> to vector<128x128xf32>
    %slice3A_51 = vector.extract_strided_slice %get3A_6 {offsets = [0, 1152], sizes = [1, 128], strides = [1, 1]} : vector<1x16384xf32> to vector<1x128xf32>
    %mul3A_52 = vector.broadcast %slice3A_51 : vector<1x128xf32> to vector<128x128xf32>
    %mul3A_53 = arith.mulf %slice3A_50, %mul3A_52 : vector<128x128xf32>
    %add3A_54 = arith.addf %add3A_49, %mul3A_53 : vector<128x128xf32>
    %slice3A_55 = vector.extract_strided_slice %get3A_3 {offsets = [0, 1280], sizes = [128, 128], strides = [1, 1]} : vector<128x16384xf32> to vector<128x128xf32>
    %slice3A_56 = vector.extract_strided_slice %get3A_6 {offsets = [0, 1280], sizes = [1, 128], strides = [1, 1]} : vector<1x16384xf32> to vector<1x128xf32>
    %mul3A_57 = vector.broadcast %slice3A_56 : vector<1x128xf32> to vector<128x128xf32>
    %mul3A_58 = arith.mulf %slice3A_55, %mul3A_57 : vector<128x128xf32>
    %add3A_59 = arith.addf %add3A_54, %mul3A_58 : vector<128x128xf32>
    %slice3A_60 = vector.extract_strided_slice %get3A_3 {offsets = [0, 1408], sizes = [128, 128], strides = [1, 1]} : vector<128x16384xf32> to vector<128x128xf32>
    %slice3A_61 = vector.extract_strided_slice %get3A_6 {offsets = [0, 1408], sizes = [1, 128], strides = [1, 1]} : vector<1x16384xf32> to vector<1x128xf32>
    %mul3A_62 = vector.broadcast %slice3A_61 : vector<1x128xf32> to vector<128x128xf32>
    %mul3A_63 = arith.mulf %slice3A_60, %mul3A_62 : vector<128x128xf32>
    %add3A_64 = arith.addf %add3A_59, %mul3A_63 : vector<128x128xf32>
    %slice3A_65 = vector.extract_strided_slice %get3A_3 {offsets = [0, 1536], sizes = [128, 128], strides = [1, 1]} : vector<128x16384xf32> to vector<128x128xf32>
    %slice3A_66 = vector.extract_strided_slice %get3A_6 {offsets = [0, 1536], sizes = [1, 128], strides = [1, 1]} : vector<1x16384xf32> to vector<1x128xf32>
    %mul3A_67 = vector.broadcast %slice3A_66 : vector<1x128xf32> to vector<128x128xf32>
    %mul3A_68 = arith.mulf %slice3A_65, %mul3A_67 : vector<128x128xf32>
    %add3A_69 = arith.addf %add3A_64, %mul3A_68 : vector<128x128xf32>
    %slice3A_70 = vector.extract_strided_slice %get3A_3 {offsets = [0, 1664], sizes = [128, 128], strides = [1, 1]} : vector<128x16384xf32> to vector<128x128xf32>
    %slice3A_71 = vector.extract_strided_slice %get3A_6 {offsets = [0, 1664], sizes = [1, 128], strides = [1, 1]} : vector<1x16384xf32> to vector<1x128xf32>
    %mul3A_72 = vector.broadcast %slice3A_71 : vector<1x128xf32> to vector<128x128xf32>
    %mul3A_73 = arith.mulf %slice3A_70, %mul3A_72 : vector<128x128xf32>
    %add3A_74 = arith.addf %add3A_69, %mul3A_73 : vector<128x128xf32>
    %slice3A_75 = vector.extract_strided_slice %get3A_3 {offsets = [0, 1792], sizes = [128, 128], strides = [1, 1]} : vector<128x16384xf32> to vector<128x128xf32>
    %slice3A_76 = vector.extract_strided_slice %get3A_6 {offsets = [0, 1792], sizes = [1, 128], strides = [1, 1]} : vector<1x16384xf32> to vector<1x128xf32>
    %mul3A_77 = vector.broadcast %slice3A_76 : vector<1x128xf32> to vector<128x128xf32>
    %mul3A_78 = arith.mulf %slice3A_75, %mul3A_77 : vector<128x128xf32>
    %add3A_79 = arith.addf %add3A_74, %mul3A_78 : vector<128x128xf32>
    %slice3A_80 = vector.extract_strided_slice %get3A_3 {offsets = [0, 1920], sizes = [128, 128], strides = [1, 1]} : vector<128x16384xf32> to vector<128x128xf32>
    %slice3A_81 = vector.extract_strided_slice %get3A_6 {offsets = [0, 1920], sizes = [1, 128], strides = [1, 1]} : vector<1x16384xf32> to vector<1x128xf32>
    %mul3A_82 = vector.broadcast %slice3A_81 : vector<1x128xf32> to vector<128x128xf32>
    %mul3A_83 = arith.mulf %slice3A_80, %mul3A_82 : vector<128x128xf32>
    %add3A_84 = arith.addf %add3A_79, %mul3A_83 : vector<128x128xf32>
    %slice3A_85 = vector.extract_strided_slice %get3A_3 {offsets = [0, 2048], sizes = [128, 128], strides = [1, 1]} : vector<128x16384xf32> to vector<128x128xf32>
    %slice3A_86 = vector.extract_strided_slice %get3A_6 {offsets = [0, 2048], sizes = [1, 128], strides = [1, 1]} : vector<1x16384xf32> to vector<1x128xf32>
    %mul3A_87 = vector.broadcast %slice3A_86 : vector<1x128xf32> to vector<128x128xf32>
    %mul3A_88 = arith.mulf %slice3A_85, %mul3A_87 : vector<128x128xf32>
    %add3A_89 = arith.addf %add3A_84, %mul3A_88 : vector<128x128xf32>
    %slice3A_90 = vector.extract_strided_slice %get3A_3 {offsets = [0, 2176], sizes = [128, 128], strides = [1, 1]} : vector<128x16384xf32> to vector<128x128xf32>
    %slice3A_91 = vector.extract_strided_slice %get3A_6 {offsets = [0, 2176], sizes = [1, 128], strides = [1, 1]} : vector<1x16384xf32> to vector<1x128xf32>
    %mul3A_92 = vector.broadcast %slice3A_91 : vector<1x128xf32> to vector<128x128xf32>
    %mul3A_93 = arith.mulf %slice3A_90, %mul3A_92 : vector<128x128xf32>
    %add3A_94 = arith.addf %add3A_89, %mul3A_93 : vector<128x128xf32>
    %slice3A_95 = vector.extract_strided_slice %get3A_3 {offsets = [0, 2304], sizes = [128, 128], strides = [1, 1]} : vector<128x16384xf32> to vector<128x128xf32>
    %slice3A_96 = vector.extract_strided_slice %get3A_6 {offsets = [0, 2304], sizes = [1, 128], strides = [1, 1]} : vector<1x16384xf32> to vector<1x128xf32>
    %mul3A_97 = vector.broadcast %slice3A_96 : vector<1x128xf32> to vector<128x128xf32>
    %mul3A_98 = arith.mulf %slice3A_95, %mul3A_97 : vector<128x128xf32>
    %add3A_99 = arith.addf %add3A_94, %mul3A_98 : vector<128x128xf32>
    %slice3A_100 = vector.extract_strided_slice %get3A_3 {offsets = [0, 2432], sizes = [128, 128], strides = [1, 1]} : vector<128x16384xf32> to vector<128x128xf32>
    %slice3A_101 = vector.extract_strided_slice %get3A_6 {offsets = [0, 2432], sizes = [1, 128], strides = [1, 1]} : vector<1x16384xf32> to vector<1x128xf32>
    %mul3A_102 = vector.broadcast %slice3A_101 : vector<1x128xf32> to vector<128x128xf32>
    %mul3A_103 = arith.mulf %slice3A_100, %mul3A_102 : vector<128x128xf32>
    %add3A_104 = arith.addf %add3A_99, %mul3A_103 : vector<128x128xf32>
    %slice3A_105 = vector.extract_strided_slice %get3A_3 {offsets = [0, 2560], sizes = [128, 128], strides = [1, 1]} : vector<128x16384xf32> to vector<128x128xf32>
    %slice3A_106 = vector.extract_strided_slice %get3A_6 {offsets = [0, 2560], sizes = [1, 128], strides = [1, 1]} : vector<1x16384xf32> to vector<1x128xf32>
    %mul3A_107 = vector.broadcast %slice3A_106 : vector<1x128xf32> to vector<128x128xf32>
    %mul3A_108 = arith.mulf %slice3A_105, %mul3A_107 : vector<128x128xf32>
    %add3A_109 = arith.addf %add3A_104, %mul3A_108 : vector<128x128xf32>
    %slice3A_110 = vector.extract_strided_slice %get3A_3 {offsets = [0, 2688], sizes = [128, 128], strides = [1, 1]} : vector<128x16384xf32> to vector<128x128xf32>
    %slice3A_111 = vector.extract_strided_slice %get3A_6 {offsets = [0, 2688], sizes = [1, 128], strides = [1, 1]} : vector<1x16384xf32> to vector<1x128xf32>
    %mul3A_112 = vector.broadcast %slice3A_111 : vector<1x128xf32> to vector<128x128xf32>
    %mul3A_113 = arith.mulf %slice3A_110, %mul3A_112 : vector<128x128xf32>
    %add3A_114 = arith.addf %add3A_109, %mul3A_113 : vector<128x128xf32>
    %slice3A_115 = vector.extract_strided_slice %get3A_3 {offsets = [0, 2816], sizes = [128, 128], strides = [1, 1]} : vector<128x16384xf32> to vector<128x128xf32>
    %slice3A_116 = vector.extract_strided_slice %get3A_6 {offsets = [0, 2816], sizes = [1, 128], strides = [1, 1]} : vector<1x16384xf32> to vector<1x128xf32>
    %mul3A_117 = vector.broadcast %slice3A_116 : vector<1x128xf32> to vector<128x128xf32>
    %mul3A_118 = arith.mulf %slice3A_115, %mul3A_117 : vector<128x128xf32>
    %add3A_119 = arith.addf %add3A_114, %mul3A_118 : vector<128x128xf32>
    %slice3A_120 = vector.extract_strided_slice %get3A_3 {offsets = [0, 2944], sizes = [128, 128], strides = [1, 1]} : vector<128x16384xf32> to vector<128x128xf32>
    %slice3A_121 = vector.extract_strided_slice %get3A_6 {offsets = [0, 2944], sizes = [1, 128], strides = [1, 1]} : vector<1x16384xf32> to vector<1x128xf32>
    %mul3A_122 = vector.broadcast %slice3A_121 : vector<1x128xf32> to vector<128x128xf32>
    %mul3A_123 = arith.mulf %slice3A_120, %mul3A_122 : vector<128x128xf32>
    %add3A_124 = arith.addf %add3A_119, %mul3A_123 : vector<128x128xf32>
    %slice3A_125 = vector.extract_strided_slice %get3A_3 {offsets = [0, 3072], sizes = [128, 128], strides = [1, 1]} : vector<128x16384xf32> to vector<128x128xf32>
    %slice3A_126 = vector.extract_strided_slice %get3A_6 {offsets = [0, 3072], sizes = [1, 128], strides = [1, 1]} : vector<1x16384xf32> to vector<1x128xf32>
    %mul3A_127 = vector.broadcast %slice3A_126 : vector<1x128xf32> to vector<128x128xf32>
    %mul3A_128 = arith.mulf %slice3A_125, %mul3A_127 : vector<128x128xf32>
    %add3A_129 = arith.addf %add3A_124, %mul3A_128 : vector<128x128xf32>
    %slice3A_130 = vector.extract_strided_slice %get3A_3 {offsets = [0, 3200], sizes = [128, 128], strides = [1, 1]} : vector<128x16384xf32> to vector<128x128xf32>
    %slice3A_131 = vector.extract_strided_slice %get3A_6 {offsets = [0, 3200], sizes = [1, 128], strides = [1, 1]} : vector<1x16384xf32> to vector<1x128xf32>
    %mul3A_132 = vector.broadcast %slice3A_131 : vector<1x128xf32> to vector<128x128xf32>
    %mul3A_133 = arith.mulf %slice3A_130, %mul3A_132 : vector<128x128xf32>
    %add3A_134 = arith.addf %add3A_129, %mul3A_133 : vector<128x128xf32>
    %slice3A_135 = vector.extract_strided_slice %get3A_3 {offsets = [0, 3328], sizes = [128, 128], strides = [1, 1]} : vector<128x16384xf32> to vector<128x128xf32>
    %slice3A_136 = vector.extract_strided_slice %get3A_6 {offsets = [0, 3328], sizes = [1, 128], strides = [1, 1]} : vector<1x16384xf32> to vector<1x128xf32>
    %mul3A_137 = vector.broadcast %slice3A_136 : vector<1x128xf32> to vector<128x128xf32>
    %mul3A_138 = arith.mulf %slice3A_135, %mul3A_137 : vector<128x128xf32>
    %add3A_139 = arith.addf %add3A_134, %mul3A_138 : vector<128x128xf32>
    %slice3A_140 = vector.extract_strided_slice %get3A_3 {offsets = [0, 3456], sizes = [128, 128], strides = [1, 1]} : vector<128x16384xf32> to vector<128x128xf32>
    %slice3A_141 = vector.extract_strided_slice %get3A_6 {offsets = [0, 3456], sizes = [1, 128], strides = [1, 1]} : vector<1x16384xf32> to vector<1x128xf32>
    %mul3A_142 = vector.broadcast %slice3A_141 : vector<1x128xf32> to vector<128x128xf32>
    %mul3A_143 = arith.mulf %slice3A_140, %mul3A_142 : vector<128x128xf32>
    %add3A_144 = arith.addf %add3A_139, %mul3A_143 : vector<128x128xf32>
    %slice3A_145 = vector.extract_strided_slice %get3A_3 {offsets = [0, 3584], sizes = [128, 128], strides = [1, 1]} : vector<128x16384xf32> to vector<128x128xf32>
    %slice3A_146 = vector.extract_strided_slice %get3A_6 {offsets = [0, 3584], sizes = [1, 128], strides = [1, 1]} : vector<1x16384xf32> to vector<1x128xf32>
    %mul3A_147 = vector.broadcast %slice3A_146 : vector<1x128xf32> to vector<128x128xf32>
    %mul3A_148 = arith.mulf %slice3A_145, %mul3A_147 : vector<128x128xf32>
    %add3A_149 = arith.addf %add3A_144, %mul3A_148 : vector<128x128xf32>
    %slice3A_150 = vector.extract_strided_slice %get3A_3 {offsets = [0, 3712], sizes = [128, 128], strides = [1, 1]} : vector<128x16384xf32> to vector<128x128xf32>
    %slice3A_151 = vector.extract_strided_slice %get3A_6 {offsets = [0, 3712], sizes = [1, 128], strides = [1, 1]} : vector<1x16384xf32> to vector<1x128xf32>
    %mul3A_152 = vector.broadcast %slice3A_151 : vector<1x128xf32> to vector<128x128xf32>
    %mul3A_153 = arith.mulf %slice3A_150, %mul3A_152 : vector<128x128xf32>
    %add3A_154 = arith.addf %add3A_149, %mul3A_153 : vector<128x128xf32>
    %slice3A_155 = vector.extract_strided_slice %get3A_3 {offsets = [0, 3840], sizes = [128, 128], strides = [1, 1]} : vector<128x16384xf32> to vector<128x128xf32>
    %slice3A_156 = vector.extract_strided_slice %get3A_6 {offsets = [0, 3840], sizes = [1, 128], strides = [1, 1]} : vector<1x16384xf32> to vector<1x128xf32>
    %mul3A_157 = vector.broadcast %slice3A_156 : vector<1x128xf32> to vector<128x128xf32>
    %mul3A_158 = arith.mulf %slice3A_155, %mul3A_157 : vector<128x128xf32>
    %add3A_159 = arith.addf %add3A_154, %mul3A_158 : vector<128x128xf32>
    %slice3A_160 = vector.extract_strided_slice %get3A_3 {offsets = [0, 3968], sizes = [128, 128], strides = [1, 1]} : vector<128x16384xf32> to vector<128x128xf32>
    %slice3A_161 = vector.extract_strided_slice %get3A_6 {offsets = [0, 3968], sizes = [1, 128], strides = [1, 1]} : vector<1x16384xf32> to vector<1x128xf32>
    %mul3A_162 = vector.broadcast %slice3A_161 : vector<1x128xf32> to vector<128x128xf32>
    %mul3A_163 = arith.mulf %slice3A_160, %mul3A_162 : vector<128x128xf32>
    %add3A_164 = arith.addf %add3A_159, %mul3A_163 : vector<128x128xf32>
    %slice3A_165 = vector.extract_strided_slice %get3A_3 {offsets = [0, 4096], sizes = [128, 128], strides = [1, 1]} : vector<128x16384xf32> to vector<128x128xf32>
    %slice3A_166 = vector.extract_strided_slice %get3A_6 {offsets = [0, 4096], sizes = [1, 128], strides = [1, 1]} : vector<1x16384xf32> to vector<1x128xf32>
    %mul3A_167 = vector.broadcast %slice3A_166 : vector<1x128xf32> to vector<128x128xf32>
    %mul3A_168 = arith.mulf %slice3A_165, %mul3A_167 : vector<128x128xf32>
    %add3A_169 = arith.addf %add3A_164, %mul3A_168 : vector<128x128xf32>
    %slice3A_170 = vector.extract_strided_slice %get3A_3 {offsets = [0, 4224], sizes = [128, 128], strides = [1, 1]} : vector<128x16384xf32> to vector<128x128xf32>
    %slice3A_171 = vector.extract_strided_slice %get3A_6 {offsets = [0, 4224], sizes = [1, 128], strides = [1, 1]} : vector<1x16384xf32> to vector<1x128xf32>
    %mul3A_172 = vector.broadcast %slice3A_171 : vector<1x128xf32> to vector<128x128xf32>
    %mul3A_173 = arith.mulf %slice3A_170, %mul3A_172 : vector<128x128xf32>
    %add3A_174 = arith.addf %add3A_169, %mul3A_173 : vector<128x128xf32>
    %slice3A_175 = vector.extract_strided_slice %get3A_3 {offsets = [0, 4352], sizes = [128, 128], strides = [1, 1]} : vector<128x16384xf32> to vector<128x128xf32>
    %slice3A_176 = vector.extract_strided_slice %get3A_6 {offsets = [0, 4352], sizes = [1, 128], strides = [1, 1]} : vector<1x16384xf32> to vector<1x128xf32>
    %mul3A_177 = vector.broadcast %slice3A_176 : vector<1x128xf32> to vector<128x128xf32>
    %mul3A_178 = arith.mulf %slice3A_175, %mul3A_177 : vector<128x128xf32>
    %add3A_179 = arith.addf %add3A_174, %mul3A_178 : vector<128x128xf32>
    %slice3A_180 = vector.extract_strided_slice %get3A_3 {offsets = [0, 4480], sizes = [128, 128], strides = [1, 1]} : vector<128x16384xf32> to vector<128x128xf32>
    %slice3A_181 = vector.extract_strided_slice %get3A_6 {offsets = [0, 4480], sizes = [1, 128], strides = [1, 1]} : vector<1x16384xf32> to vector<1x128xf32>
    %mul3A_182 = vector.broadcast %slice3A_181 : vector<1x128xf32> to vector<128x128xf32>
    %mul3A_183 = arith.mulf %slice3A_180, %mul3A_182 : vector<128x128xf32>
    %add3A_184 = arith.addf %add3A_179, %mul3A_183 : vector<128x128xf32>
    %slice3A_185 = vector.extract_strided_slice %get3A_3 {offsets = [0, 4608], sizes = [128, 128], strides = [1, 1]} : vector<128x16384xf32> to vector<128x128xf32>
    %slice3A_186 = vector.extract_strided_slice %get3A_6 {offsets = [0, 4608], sizes = [1, 128], strides = [1, 1]} : vector<1x16384xf32> to vector<1x128xf32>
    %mul3A_187 = vector.broadcast %slice3A_186 : vector<1x128xf32> to vector<128x128xf32>
    %mul3A_188 = arith.mulf %slice3A_185, %mul3A_187 : vector<128x128xf32>
    %add3A_189 = arith.addf %add3A_184, %mul3A_188 : vector<128x128xf32>
    %slice3A_190 = vector.extract_strided_slice %get3A_3 {offsets = [0, 4736], sizes = [128, 128], strides = [1, 1]} : vector<128x16384xf32> to vector<128x128xf32>
    %slice3A_191 = vector.extract_strided_slice %get3A_6 {offsets = [0, 4736], sizes = [1, 128], strides = [1, 1]} : vector<1x16384xf32> to vector<1x128xf32>
    %mul3A_192 = vector.broadcast %slice3A_191 : vector<1x128xf32> to vector<128x128xf32>
    %mul3A_193 = arith.mulf %slice3A_190, %mul3A_192 : vector<128x128xf32>
    %add3A_194 = arith.addf %add3A_189, %mul3A_193 : vector<128x128xf32>
    %slice3A_195 = vector.extract_strided_slice %get3A_3 {offsets = [0, 4864], sizes = [128, 128], strides = [1, 1]} : vector<128x16384xf32> to vector<128x128xf32>
    %slice3A_196 = vector.extract_strided_slice %get3A_6 {offsets = [0, 4864], sizes = [1, 128], strides = [1, 1]} : vector<1x16384xf32> to vector<1x128xf32>
    %mul3A_197 = vector.broadcast %slice3A_196 : vector<1x128xf32> to vector<128x128xf32>
    %mul3A_198 = arith.mulf %slice3A_195, %mul3A_197 : vector<128x128xf32>
    %add3A_199 = arith.addf %add3A_194, %mul3A_198 : vector<128x128xf32>
    %slice3A_200 = vector.extract_strided_slice %get3A_3 {offsets = [0, 4992], sizes = [128, 128], strides = [1, 1]} : vector<128x16384xf32> to vector<128x128xf32>
    %slice3A_201 = vector.extract_strided_slice %get3A_6 {offsets = [0, 4992], sizes = [1, 128], strides = [1, 1]} : vector<1x16384xf32> to vector<1x128xf32>
    %mul3A_202 = vector.broadcast %slice3A_201 : vector<1x128xf32> to vector<128x128xf32>
    %mul3A_203 = arith.mulf %slice3A_200, %mul3A_202 : vector<128x128xf32>
    %add3A_204 = arith.addf %add3A_199, %mul3A_203 : vector<128x128xf32>
    %slice3A_205 = vector.extract_strided_slice %get3A_3 {offsets = [0, 5120], sizes = [128, 128], strides = [1, 1]} : vector<128x16384xf32> to vector<128x128xf32>
    %slice3A_206 = vector.extract_strided_slice %get3A_6 {offsets = [0, 5120], sizes = [1, 128], strides = [1, 1]} : vector<1x16384xf32> to vector<1x128xf32>
    %mul3A_207 = vector.broadcast %slice3A_206 : vector<1x128xf32> to vector<128x128xf32>
    %mul3A_208 = arith.mulf %slice3A_205, %mul3A_207 : vector<128x128xf32>
    %add3A_209 = arith.addf %add3A_204, %mul3A_208 : vector<128x128xf32>
    %slice3A_210 = vector.extract_strided_slice %get3A_3 {offsets = [0, 5248], sizes = [128, 128], strides = [1, 1]} : vector<128x16384xf32> to vector<128x128xf32>
    %slice3A_211 = vector.extract_strided_slice %get3A_6 {offsets = [0, 5248], sizes = [1, 128], strides = [1, 1]} : vector<1x16384xf32> to vector<1x128xf32>
    %mul3A_212 = vector.broadcast %slice3A_211 : vector<1x128xf32> to vector<128x128xf32>
    %mul3A_213 = arith.mulf %slice3A_210, %mul3A_212 : vector<128x128xf32>
    %add3A_214 = arith.addf %add3A_209, %mul3A_213 : vector<128x128xf32>
    %slice3A_215 = vector.extract_strided_slice %get3A_3 {offsets = [0, 5376], sizes = [128, 128], strides = [1, 1]} : vector<128x16384xf32> to vector<128x128xf32>
    %slice3A_216 = vector.extract_strided_slice %get3A_6 {offsets = [0, 5376], sizes = [1, 128], strides = [1, 1]} : vector<1x16384xf32> to vector<1x128xf32>
    %mul3A_217 = vector.broadcast %slice3A_216 : vector<1x128xf32> to vector<128x128xf32>
    %mul3A_218 = arith.mulf %slice3A_215, %mul3A_217 : vector<128x128xf32>
    %add3A_219 = arith.addf %add3A_214, %mul3A_218 : vector<128x128xf32>
    %slice3A_220 = vector.extract_strided_slice %get3A_3 {offsets = [0, 5504], sizes = [128, 128], strides = [1, 1]} : vector<128x16384xf32> to vector<128x128xf32>
    %slice3A_221 = vector.extract_strided_slice %get3A_6 {offsets = [0, 5504], sizes = [1, 128], strides = [1, 1]} : vector<1x16384xf32> to vector<1x128xf32>
    %mul3A_222 = vector.broadcast %slice3A_221 : vector<1x128xf32> to vector<128x128xf32>
    %mul3A_223 = arith.mulf %slice3A_220, %mul3A_222 : vector<128x128xf32>
    %add3A_224 = arith.addf %add3A_219, %mul3A_223 : vector<128x128xf32>
    %slice3A_225 = vector.extract_strided_slice %get3A_3 {offsets = [0, 5632], sizes = [128, 128], strides = [1, 1]} : vector<128x16384xf32> to vector<128x128xf32>
    %slice3A_226 = vector.extract_strided_slice %get3A_6 {offsets = [0, 5632], sizes = [1, 128], strides = [1, 1]} : vector<1x16384xf32> to vector<1x128xf32>
    %mul3A_227 = vector.broadcast %slice3A_226 : vector<1x128xf32> to vector<128x128xf32>
    %mul3A_228 = arith.mulf %slice3A_225, %mul3A_227 : vector<128x128xf32>
    %add3A_229 = arith.addf %add3A_224, %mul3A_228 : vector<128x128xf32>
    %slice3A_230 = vector.extract_strided_slice %get3A_3 {offsets = [0, 5760], sizes = [128, 128], strides = [1, 1]} : vector<128x16384xf32> to vector<128x128xf32>
    %slice3A_231 = vector.extract_strided_slice %get3A_6 {offsets = [0, 5760], sizes = [1, 128], strides = [1, 1]} : vector<1x16384xf32> to vector<1x128xf32>
    %mul3A_232 = vector.broadcast %slice3A_231 : vector<1x128xf32> to vector<128x128xf32>
    %mul3A_233 = arith.mulf %slice3A_230, %mul3A_232 : vector<128x128xf32>
    %add3A_234 = arith.addf %add3A_229, %mul3A_233 : vector<128x128xf32>
    %slice3A_235 = vector.extract_strided_slice %get3A_3 {offsets = [0, 5888], sizes = [128, 128], strides = [1, 1]} : vector<128x16384xf32> to vector<128x128xf32>
    %slice3A_236 = vector.extract_strided_slice %get3A_6 {offsets = [0, 5888], sizes = [1, 128], strides = [1, 1]} : vector<1x16384xf32> to vector<1x128xf32>
    %mul3A_237 = vector.broadcast %slice3A_236 : vector<1x128xf32> to vector<128x128xf32>
    %mul3A_238 = arith.mulf %slice3A_235, %mul3A_237 : vector<128x128xf32>
    %add3A_239 = arith.addf %add3A_234, %mul3A_238 : vector<128x128xf32>
    %slice3A_240 = vector.extract_strided_slice %get3A_3 {offsets = [0, 6016], sizes = [128, 128], strides = [1, 1]} : vector<128x16384xf32> to vector<128x128xf32>
    %slice3A_241 = vector.extract_strided_slice %get3A_6 {offsets = [0, 6016], sizes = [1, 128], strides = [1, 1]} : vector<1x16384xf32> to vector<1x128xf32>
    %mul3A_242 = vector.broadcast %slice3A_241 : vector<1x128xf32> to vector<128x128xf32>
    %mul3A_243 = arith.mulf %slice3A_240, %mul3A_242 : vector<128x128xf32>
    %add3A_244 = arith.addf %add3A_239, %mul3A_243 : vector<128x128xf32>
    %slice3A_245 = vector.extract_strided_slice %get3A_3 {offsets = [0, 6144], sizes = [128, 128], strides = [1, 1]} : vector<128x16384xf32> to vector<128x128xf32>
    %slice3A_246 = vector.extract_strided_slice %get3A_6 {offsets = [0, 6144], sizes = [1, 128], strides = [1, 1]} : vector<1x16384xf32> to vector<1x128xf32>
    %mul3A_247 = vector.broadcast %slice3A_246 : vector<1x128xf32> to vector<128x128xf32>
    %mul3A_248 = arith.mulf %slice3A_245, %mul3A_247 : vector<128x128xf32>
    %add3A_249 = arith.addf %add3A_244, %mul3A_248 : vector<128x128xf32>
    %slice3A_250 = vector.extract_strided_slice %get3A_3 {offsets = [0, 6272], sizes = [128, 128], strides = [1, 1]} : vector<128x16384xf32> to vector<128x128xf32>
    %slice3A_251 = vector.extract_strided_slice %get3A_6 {offsets = [0, 6272], sizes = [1, 128], strides = [1, 1]} : vector<1x16384xf32> to vector<1x128xf32>
    %mul3A_252 = vector.broadcast %slice3A_251 : vector<1x128xf32> to vector<128x128xf32>
    %mul3A_253 = arith.mulf %slice3A_250, %mul3A_252 : vector<128x128xf32>
    %add3A_254 = arith.addf %add3A_249, %mul3A_253 : vector<128x128xf32>
    %slice3A_255 = vector.extract_strided_slice %get3A_3 {offsets = [0, 6400], sizes = [128, 128], strides = [1, 1]} : vector<128x16384xf32> to vector<128x128xf32>
    %slice3A_256 = vector.extract_strided_slice %get3A_6 {offsets = [0, 6400], sizes = [1, 128], strides = [1, 1]} : vector<1x16384xf32> to vector<1x128xf32>
    %mul3A_257 = vector.broadcast %slice3A_256 : vector<1x128xf32> to vector<128x128xf32>
    %mul3A_258 = arith.mulf %slice3A_255, %mul3A_257 : vector<128x128xf32>
    %add3A_259 = arith.addf %add3A_254, %mul3A_258 : vector<128x128xf32>
    %slice3A_260 = vector.extract_strided_slice %get3A_3 {offsets = [0, 6528], sizes = [128, 128], strides = [1, 1]} : vector<128x16384xf32> to vector<128x128xf32>
    %slice3A_261 = vector.extract_strided_slice %get3A_6 {offsets = [0, 6528], sizes = [1, 128], strides = [1, 1]} : vector<1x16384xf32> to vector<1x128xf32>
    %mul3A_262 = vector.broadcast %slice3A_261 : vector<1x128xf32> to vector<128x128xf32>
    %mul3A_263 = arith.mulf %slice3A_260, %mul3A_262 : vector<128x128xf32>
    %add3A_264 = arith.addf %add3A_259, %mul3A_263 : vector<128x128xf32>
    %slice3A_265 = vector.extract_strided_slice %get3A_3 {offsets = [0, 6656], sizes = [128, 128], strides = [1, 1]} : vector<128x16384xf32> to vector<128x128xf32>
    %slice3A_266 = vector.extract_strided_slice %get3A_6 {offsets = [0, 6656], sizes = [1, 128], strides = [1, 1]} : vector<1x16384xf32> to vector<1x128xf32>
    %mul3A_267 = vector.broadcast %slice3A_266 : vector<1x128xf32> to vector<128x128xf32>
    %mul3A_268 = arith.mulf %slice3A_265, %mul3A_267 : vector<128x128xf32>
    %add3A_269 = arith.addf %add3A_264, %mul3A_268 : vector<128x128xf32>
    %slice3A_270 = vector.extract_strided_slice %get3A_3 {offsets = [0, 6784], sizes = [128, 128], strides = [1, 1]} : vector<128x16384xf32> to vector<128x128xf32>
    %slice3A_271 = vector.extract_strided_slice %get3A_6 {offsets = [0, 6784], sizes = [1, 128], strides = [1, 1]} : vector<1x16384xf32> to vector<1x128xf32>
    %mul3A_272 = vector.broadcast %slice3A_271 : vector<1x128xf32> to vector<128x128xf32>
    %mul3A_273 = arith.mulf %slice3A_270, %mul3A_272 : vector<128x128xf32>
    %add3A_274 = arith.addf %add3A_269, %mul3A_273 : vector<128x128xf32>
    %slice3A_275 = vector.extract_strided_slice %get3A_3 {offsets = [0, 6912], sizes = [128, 128], strides = [1, 1]} : vector<128x16384xf32> to vector<128x128xf32>
    %slice3A_276 = vector.extract_strided_slice %get3A_6 {offsets = [0, 6912], sizes = [1, 128], strides = [1, 1]} : vector<1x16384xf32> to vector<1x128xf32>
    %mul3A_277 = vector.broadcast %slice3A_276 : vector<1x128xf32> to vector<128x128xf32>
    %mul3A_278 = arith.mulf %slice3A_275, %mul3A_277 : vector<128x128xf32>
    %add3A_279 = arith.addf %add3A_274, %mul3A_278 : vector<128x128xf32>
    %slice3A_280 = vector.extract_strided_slice %get3A_3 {offsets = [0, 7040], sizes = [128, 128], strides = [1, 1]} : vector<128x16384xf32> to vector<128x128xf32>
    %slice3A_281 = vector.extract_strided_slice %get3A_6 {offsets = [0, 7040], sizes = [1, 128], strides = [1, 1]} : vector<1x16384xf32> to vector<1x128xf32>
    %mul3A_282 = vector.broadcast %slice3A_281 : vector<1x128xf32> to vector<128x128xf32>
    %mul3A_283 = arith.mulf %slice3A_280, %mul3A_282 : vector<128x128xf32>
    %add3A_284 = arith.addf %add3A_279, %mul3A_283 : vector<128x128xf32>
    %slice3A_285 = vector.extract_strided_slice %get3A_3 {offsets = [0, 7168], sizes = [128, 128], strides = [1, 1]} : vector<128x16384xf32> to vector<128x128xf32>
    %slice3A_286 = vector.extract_strided_slice %get3A_6 {offsets = [0, 7168], sizes = [1, 128], strides = [1, 1]} : vector<1x16384xf32> to vector<1x128xf32>
    %mul3A_287 = vector.broadcast %slice3A_286 : vector<1x128xf32> to vector<128x128xf32>
    %mul3A_288 = arith.mulf %slice3A_285, %mul3A_287 : vector<128x128xf32>
    %add3A_289 = arith.addf %add3A_284, %mul3A_288 : vector<128x128xf32>
    %slice3A_290 = vector.extract_strided_slice %get3A_3 {offsets = [0, 7296], sizes = [128, 128], strides = [1, 1]} : vector<128x16384xf32> to vector<128x128xf32>
    %slice3A_291 = vector.extract_strided_slice %get3A_6 {offsets = [0, 7296], sizes = [1, 128], strides = [1, 1]} : vector<1x16384xf32> to vector<1x128xf32>
    %mul3A_292 = vector.broadcast %slice3A_291 : vector<1x128xf32> to vector<128x128xf32>
    %mul3A_293 = arith.mulf %slice3A_290, %mul3A_292 : vector<128x128xf32>
    %add3A_294 = arith.addf %add3A_289, %mul3A_293 : vector<128x128xf32>
    %slice3A_295 = vector.extract_strided_slice %get3A_3 {offsets = [0, 7424], sizes = [128, 128], strides = [1, 1]} : vector<128x16384xf32> to vector<128x128xf32>
    %slice3A_296 = vector.extract_strided_slice %get3A_6 {offsets = [0, 7424], sizes = [1, 128], strides = [1, 1]} : vector<1x16384xf32> to vector<1x128xf32>
    %mul3A_297 = vector.broadcast %slice3A_296 : vector<1x128xf32> to vector<128x128xf32>
    %mul3A_298 = arith.mulf %slice3A_295, %mul3A_297 : vector<128x128xf32>
    %add3A_299 = arith.addf %add3A_294, %mul3A_298 : vector<128x128xf32>
    %slice3A_300 = vector.extract_strided_slice %get3A_3 {offsets = [0, 7552], sizes = [128, 128], strides = [1, 1]} : vector<128x16384xf32> to vector<128x128xf32>
    %slice3A_301 = vector.extract_strided_slice %get3A_6 {offsets = [0, 7552], sizes = [1, 128], strides = [1, 1]} : vector<1x16384xf32> to vector<1x128xf32>
    %mul3A_302 = vector.broadcast %slice3A_301 : vector<1x128xf32> to vector<128x128xf32>
    %mul3A_303 = arith.mulf %slice3A_300, %mul3A_302 : vector<128x128xf32>
    %add3A_304 = arith.addf %add3A_299, %mul3A_303 : vector<128x128xf32>
    %slice3A_305 = vector.extract_strided_slice %get3A_3 {offsets = [0, 7680], sizes = [128, 128], strides = [1, 1]} : vector<128x16384xf32> to vector<128x128xf32>
    %slice3A_306 = vector.extract_strided_slice %get3A_6 {offsets = [0, 7680], sizes = [1, 128], strides = [1, 1]} : vector<1x16384xf32> to vector<1x128xf32>
    %mul3A_307 = vector.broadcast %slice3A_306 : vector<1x128xf32> to vector<128x128xf32>
    %mul3A_308 = arith.mulf %slice3A_305, %mul3A_307 : vector<128x128xf32>
    %add3A_309 = arith.addf %add3A_304, %mul3A_308 : vector<128x128xf32>
    %slice3A_310 = vector.extract_strided_slice %get3A_3 {offsets = [0, 7808], sizes = [128, 128], strides = [1, 1]} : vector<128x16384xf32> to vector<128x128xf32>
    %slice3A_311 = vector.extract_strided_slice %get3A_6 {offsets = [0, 7808], sizes = [1, 128], strides = [1, 1]} : vector<1x16384xf32> to vector<1x128xf32>
    %mul3A_312 = vector.broadcast %slice3A_311 : vector<1x128xf32> to vector<128x128xf32>
    %mul3A_313 = arith.mulf %slice3A_310, %mul3A_312 : vector<128x128xf32>
    %add3A_314 = arith.addf %add3A_309, %mul3A_313 : vector<128x128xf32>
    %slice3A_315 = vector.extract_strided_slice %get3A_3 {offsets = [0, 7936], sizes = [128, 128], strides = [1, 1]} : vector<128x16384xf32> to vector<128x128xf32>
    %slice3A_316 = vector.extract_strided_slice %get3A_6 {offsets = [0, 7936], sizes = [1, 128], strides = [1, 1]} : vector<1x16384xf32> to vector<1x128xf32>
    %mul3A_317 = vector.broadcast %slice3A_316 : vector<1x128xf32> to vector<128x128xf32>
    %mul3A_318 = arith.mulf %slice3A_315, %mul3A_317 : vector<128x128xf32>
    %add3A_319 = arith.addf %add3A_314, %mul3A_318 : vector<128x128xf32>
    %slice3A_320 = vector.extract_strided_slice %get3A_3 {offsets = [0, 8064], sizes = [128, 128], strides = [1, 1]} : vector<128x16384xf32> to vector<128x128xf32>
    %slice3A_321 = vector.extract_strided_slice %get3A_6 {offsets = [0, 8064], sizes = [1, 128], strides = [1, 1]} : vector<1x16384xf32> to vector<1x128xf32>
    %mul3A_322 = vector.broadcast %slice3A_321 : vector<1x128xf32> to vector<128x128xf32>
    %mul3A_323 = arith.mulf %slice3A_320, %mul3A_322 : vector<128x128xf32>
    %add3A_324 = arith.addf %add3A_319, %mul3A_323 : vector<128x128xf32>
    %slice3A_325 = vector.extract_strided_slice %get3A_3 {offsets = [0, 8192], sizes = [128, 128], strides = [1, 1]} : vector<128x16384xf32> to vector<128x128xf32>
    %slice3A_326 = vector.extract_strided_slice %get3A_6 {offsets = [0, 8192], sizes = [1, 128], strides = [1, 1]} : vector<1x16384xf32> to vector<1x128xf32>
    %mul3A_327 = vector.broadcast %slice3A_326 : vector<1x128xf32> to vector<128x128xf32>
    %mul3A_328 = arith.mulf %slice3A_325, %mul3A_327 : vector<128x128xf32>
    %add3A_329 = arith.addf %add3A_324, %mul3A_328 : vector<128x128xf32>
    %slice3A_330 = vector.extract_strided_slice %get3A_3 {offsets = [0, 8320], sizes = [128, 128], strides = [1, 1]} : vector<128x16384xf32> to vector<128x128xf32>
    %slice3A_331 = vector.extract_strided_slice %get3A_6 {offsets = [0, 8320], sizes = [1, 128], strides = [1, 1]} : vector<1x16384xf32> to vector<1x128xf32>
    %mul3A_332 = vector.broadcast %slice3A_331 : vector<1x128xf32> to vector<128x128xf32>
    %mul3A_333 = arith.mulf %slice3A_330, %mul3A_332 : vector<128x128xf32>
    %add3A_334 = arith.addf %add3A_329, %mul3A_333 : vector<128x128xf32>
    %slice3A_335 = vector.extract_strided_slice %get3A_3 {offsets = [0, 8448], sizes = [128, 128], strides = [1, 1]} : vector<128x16384xf32> to vector<128x128xf32>
    %slice3A_336 = vector.extract_strided_slice %get3A_6 {offsets = [0, 8448], sizes = [1, 128], strides = [1, 1]} : vector<1x16384xf32> to vector<1x128xf32>
    %mul3A_337 = vector.broadcast %slice3A_336 : vector<1x128xf32> to vector<128x128xf32>
    %mul3A_338 = arith.mulf %slice3A_335, %mul3A_337 : vector<128x128xf32>
    %add3A_339 = arith.addf %add3A_334, %mul3A_338 : vector<128x128xf32>
    %slice3A_340 = vector.extract_strided_slice %get3A_3 {offsets = [0, 8576], sizes = [128, 128], strides = [1, 1]} : vector<128x16384xf32> to vector<128x128xf32>
    %slice3A_341 = vector.extract_strided_slice %get3A_6 {offsets = [0, 8576], sizes = [1, 128], strides = [1, 1]} : vector<1x16384xf32> to vector<1x128xf32>
    %mul3A_342 = vector.broadcast %slice3A_341 : vector<1x128xf32> to vector<128x128xf32>
    %mul3A_343 = arith.mulf %slice3A_340, %mul3A_342 : vector<128x128xf32>
    %add3A_344 = arith.addf %add3A_339, %mul3A_343 : vector<128x128xf32>
    %slice3A_345 = vector.extract_strided_slice %get3A_3 {offsets = [0, 8704], sizes = [128, 128], strides = [1, 1]} : vector<128x16384xf32> to vector<128x128xf32>
    %slice3A_346 = vector.extract_strided_slice %get3A_6 {offsets = [0, 8704], sizes = [1, 128], strides = [1, 1]} : vector<1x16384xf32> to vector<1x128xf32>
    %mul3A_347 = vector.broadcast %slice3A_346 : vector<1x128xf32> to vector<128x128xf32>
    %mul3A_348 = arith.mulf %slice3A_345, %mul3A_347 : vector<128x128xf32>
    %add3A_349 = arith.addf %add3A_344, %mul3A_348 : vector<128x128xf32>
    %slice3A_350 = vector.extract_strided_slice %get3A_3 {offsets = [0, 8832], sizes = [128, 128], strides = [1, 1]} : vector<128x16384xf32> to vector<128x128xf32>
    %slice3A_351 = vector.extract_strided_slice %get3A_6 {offsets = [0, 8832], sizes = [1, 128], strides = [1, 1]} : vector<1x16384xf32> to vector<1x128xf32>
    %mul3A_352 = vector.broadcast %slice3A_351 : vector<1x128xf32> to vector<128x128xf32>
    %mul3A_353 = arith.mulf %slice3A_350, %mul3A_352 : vector<128x128xf32>
    %add3A_354 = arith.addf %add3A_349, %mul3A_353 : vector<128x128xf32>
    %slice3A_355 = vector.extract_strided_slice %get3A_3 {offsets = [0, 8960], sizes = [128, 128], strides = [1, 1]} : vector<128x16384xf32> to vector<128x128xf32>
    %slice3A_356 = vector.extract_strided_slice %get3A_6 {offsets = [0, 8960], sizes = [1, 128], strides = [1, 1]} : vector<1x16384xf32> to vector<1x128xf32>
    %mul3A_357 = vector.broadcast %slice3A_356 : vector<1x128xf32> to vector<128x128xf32>
    %mul3A_358 = arith.mulf %slice3A_355, %mul3A_357 : vector<128x128xf32>
    %add3A_359 = arith.addf %add3A_354, %mul3A_358 : vector<128x128xf32>
    %slice3A_360 = vector.extract_strided_slice %get3A_3 {offsets = [0, 9088], sizes = [128, 128], strides = [1, 1]} : vector<128x16384xf32> to vector<128x128xf32>
    %slice3A_361 = vector.extract_strided_slice %get3A_6 {offsets = [0, 9088], sizes = [1, 128], strides = [1, 1]} : vector<1x16384xf32> to vector<1x128xf32>
    %mul3A_362 = vector.broadcast %slice3A_361 : vector<1x128xf32> to vector<128x128xf32>
    %mul3A_363 = arith.mulf %slice3A_360, %mul3A_362 : vector<128x128xf32>
    %add3A_364 = arith.addf %add3A_359, %mul3A_363 : vector<128x128xf32>
    %slice3A_365 = vector.extract_strided_slice %get3A_3 {offsets = [0, 9216], sizes = [128, 128], strides = [1, 1]} : vector<128x16384xf32> to vector<128x128xf32>
    %slice3A_366 = vector.extract_strided_slice %get3A_6 {offsets = [0, 9216], sizes = [1, 128], strides = [1, 1]} : vector<1x16384xf32> to vector<1x128xf32>
    %mul3A_367 = vector.broadcast %slice3A_366 : vector<1x128xf32> to vector<128x128xf32>
    %mul3A_368 = arith.mulf %slice3A_365, %mul3A_367 : vector<128x128xf32>
    %add3A_369 = arith.addf %add3A_364, %mul3A_368 : vector<128x128xf32>
    %slice3A_370 = vector.extract_strided_slice %get3A_3 {offsets = [0, 9344], sizes = [128, 128], strides = [1, 1]} : vector<128x16384xf32> to vector<128x128xf32>
    %slice3A_371 = vector.extract_strided_slice %get3A_6 {offsets = [0, 9344], sizes = [1, 128], strides = [1, 1]} : vector<1x16384xf32> to vector<1x128xf32>
    %mul3A_372 = vector.broadcast %slice3A_371 : vector<1x128xf32> to vector<128x128xf32>
    %mul3A_373 = arith.mulf %slice3A_370, %mul3A_372 : vector<128x128xf32>
    %add3A_374 = arith.addf %add3A_369, %mul3A_373 : vector<128x128xf32>
    %slice3A_375 = vector.extract_strided_slice %get3A_3 {offsets = [0, 9472], sizes = [128, 128], strides = [1, 1]} : vector<128x16384xf32> to vector<128x128xf32>
    %slice3A_376 = vector.extract_strided_slice %get3A_6 {offsets = [0, 9472], sizes = [1, 128], strides = [1, 1]} : vector<1x16384xf32> to vector<1x128xf32>
    %mul3A_377 = vector.broadcast %slice3A_376 : vector<1x128xf32> to vector<128x128xf32>
    %mul3A_378 = arith.mulf %slice3A_375, %mul3A_377 : vector<128x128xf32>
    %add3A_379 = arith.addf %add3A_374, %mul3A_378 : vector<128x128xf32>
    %slice3A_380 = vector.extract_strided_slice %get3A_3 {offsets = [0, 9600], sizes = [128, 128], strides = [1, 1]} : vector<128x16384xf32> to vector<128x128xf32>
    %slice3A_381 = vector.extract_strided_slice %get3A_6 {offsets = [0, 9600], sizes = [1, 128], strides = [1, 1]} : vector<1x16384xf32> to vector<1x128xf32>
    %mul3A_382 = vector.broadcast %slice3A_381 : vector<1x128xf32> to vector<128x128xf32>
    %mul3A_383 = arith.mulf %slice3A_380, %mul3A_382 : vector<128x128xf32>
    %add3A_384 = arith.addf %add3A_379, %mul3A_383 : vector<128x128xf32>
    %slice3A_385 = vector.extract_strided_slice %get3A_3 {offsets = [0, 9728], sizes = [128, 128], strides = [1, 1]} : vector<128x16384xf32> to vector<128x128xf32>
    %slice3A_386 = vector.extract_strided_slice %get3A_6 {offsets = [0, 9728], sizes = [1, 128], strides = [1, 1]} : vector<1x16384xf32> to vector<1x128xf32>
    %mul3A_387 = vector.broadcast %slice3A_386 : vector<1x128xf32> to vector<128x128xf32>
    %mul3A_388 = arith.mulf %slice3A_385, %mul3A_387 : vector<128x128xf32>
    %add3A_389 = arith.addf %add3A_384, %mul3A_388 : vector<128x128xf32>
    %slice3A_390 = vector.extract_strided_slice %get3A_3 {offsets = [0, 9856], sizes = [128, 128], strides = [1, 1]} : vector<128x16384xf32> to vector<128x128xf32>
    %slice3A_391 = vector.extract_strided_slice %get3A_6 {offsets = [0, 9856], sizes = [1, 128], strides = [1, 1]} : vector<1x16384xf32> to vector<1x128xf32>
    %mul3A_392 = vector.broadcast %slice3A_391 : vector<1x128xf32> to vector<128x128xf32>
    %mul3A_393 = arith.mulf %slice3A_390, %mul3A_392 : vector<128x128xf32>
    %add3A_394 = arith.addf %add3A_389, %mul3A_393 : vector<128x128xf32>
    %slice3A_395 = vector.extract_strided_slice %get3A_3 {offsets = [0, 9984], sizes = [128, 128], strides = [1, 1]} : vector<128x16384xf32> to vector<128x128xf32>
    %slice3A_396 = vector.extract_strided_slice %get3A_6 {offsets = [0, 9984], sizes = [1, 128], strides = [1, 1]} : vector<1x16384xf32> to vector<1x128xf32>
    %mul3A_397 = vector.broadcast %slice3A_396 : vector<1x128xf32> to vector<128x128xf32>
    %mul3A_398 = arith.mulf %slice3A_395, %mul3A_397 : vector<128x128xf32>
    %add3A_399 = arith.addf %add3A_394, %mul3A_398 : vector<128x128xf32>
    %slice3A_400 = vector.extract_strided_slice %get3A_3 {offsets = [0, 10112], sizes = [128, 128], strides = [1, 1]} : vector<128x16384xf32> to vector<128x128xf32>
    %slice3A_401 = vector.extract_strided_slice %get3A_6 {offsets = [0, 10112], sizes = [1, 128], strides = [1, 1]} : vector<1x16384xf32> to vector<1x128xf32>
    %mul3A_402 = vector.broadcast %slice3A_401 : vector<1x128xf32> to vector<128x128xf32>
    %mul3A_403 = arith.mulf %slice3A_400, %mul3A_402 : vector<128x128xf32>
    %add3A_404 = arith.addf %add3A_399, %mul3A_403 : vector<128x128xf32>
    %slice3A_405 = vector.extract_strided_slice %get3A_3 {offsets = [0, 10240], sizes = [128, 128], strides = [1, 1]} : vector<128x16384xf32> to vector<128x128xf32>
    %slice3A_406 = vector.extract_strided_slice %get3A_6 {offsets = [0, 10240], sizes = [1, 128], strides = [1, 1]} : vector<1x16384xf32> to vector<1x128xf32>
    %mul3A_407 = vector.broadcast %slice3A_406 : vector<1x128xf32> to vector<128x128xf32>
    %mul3A_408 = arith.mulf %slice3A_405, %mul3A_407 : vector<128x128xf32>
    %add3A_409 = arith.addf %add3A_404, %mul3A_408 : vector<128x128xf32>
    %slice3A_410 = vector.extract_strided_slice %get3A_3 {offsets = [0, 10368], sizes = [128, 128], strides = [1, 1]} : vector<128x16384xf32> to vector<128x128xf32>
    %slice3A_411 = vector.extract_strided_slice %get3A_6 {offsets = [0, 10368], sizes = [1, 128], strides = [1, 1]} : vector<1x16384xf32> to vector<1x128xf32>
    %mul3A_412 = vector.broadcast %slice3A_411 : vector<1x128xf32> to vector<128x128xf32>
    %mul3A_413 = arith.mulf %slice3A_410, %mul3A_412 : vector<128x128xf32>
    %add3A_414 = arith.addf %add3A_409, %mul3A_413 : vector<128x128xf32>
    %slice3A_415 = vector.extract_strided_slice %get3A_3 {offsets = [0, 10496], sizes = [128, 128], strides = [1, 1]} : vector<128x16384xf32> to vector<128x128xf32>
    %slice3A_416 = vector.extract_strided_slice %get3A_6 {offsets = [0, 10496], sizes = [1, 128], strides = [1, 1]} : vector<1x16384xf32> to vector<1x128xf32>
    %mul3A_417 = vector.broadcast %slice3A_416 : vector<1x128xf32> to vector<128x128xf32>
    %mul3A_418 = arith.mulf %slice3A_415, %mul3A_417 : vector<128x128xf32>
    %add3A_419 = arith.addf %add3A_414, %mul3A_418 : vector<128x128xf32>
    %slice3A_420 = vector.extract_strided_slice %get3A_3 {offsets = [0, 10624], sizes = [128, 128], strides = [1, 1]} : vector<128x16384xf32> to vector<128x128xf32>
    %slice3A_421 = vector.extract_strided_slice %get3A_6 {offsets = [0, 10624], sizes = [1, 128], strides = [1, 1]} : vector<1x16384xf32> to vector<1x128xf32>
    %mul3A_422 = vector.broadcast %slice3A_421 : vector<1x128xf32> to vector<128x128xf32>
    %mul3A_423 = arith.mulf %slice3A_420, %mul3A_422 : vector<128x128xf32>
    %add3A_424 = arith.addf %add3A_419, %mul3A_423 : vector<128x128xf32>
    %slice3A_425 = vector.extract_strided_slice %get3A_3 {offsets = [0, 10752], sizes = [128, 128], strides = [1, 1]} : vector<128x16384xf32> to vector<128x128xf32>
    %slice3A_426 = vector.extract_strided_slice %get3A_6 {offsets = [0, 10752], sizes = [1, 128], strides = [1, 1]} : vector<1x16384xf32> to vector<1x128xf32>
    %mul3A_427 = vector.broadcast %slice3A_426 : vector<1x128xf32> to vector<128x128xf32>
    %mul3A_428 = arith.mulf %slice3A_425, %mul3A_427 : vector<128x128xf32>
    %add3A_429 = arith.addf %add3A_424, %mul3A_428 : vector<128x128xf32>
    %slice3A_430 = vector.extract_strided_slice %get3A_3 {offsets = [0, 10880], sizes = [128, 128], strides = [1, 1]} : vector<128x16384xf32> to vector<128x128xf32>
    %slice3A_431 = vector.extract_strided_slice %get3A_6 {offsets = [0, 10880], sizes = [1, 128], strides = [1, 1]} : vector<1x16384xf32> to vector<1x128xf32>
    %mul3A_432 = vector.broadcast %slice3A_431 : vector<1x128xf32> to vector<128x128xf32>
    %mul3A_433 = arith.mulf %slice3A_430, %mul3A_432 : vector<128x128xf32>
    %add3A_434 = arith.addf %add3A_429, %mul3A_433 : vector<128x128xf32>
    %slice3A_435 = vector.extract_strided_slice %get3A_3 {offsets = [0, 11008], sizes = [128, 128], strides = [1, 1]} : vector<128x16384xf32> to vector<128x128xf32>
    %slice3A_436 = vector.extract_strided_slice %get3A_6 {offsets = [0, 11008], sizes = [1, 128], strides = [1, 1]} : vector<1x16384xf32> to vector<1x128xf32>
    %mul3A_437 = vector.broadcast %slice3A_436 : vector<1x128xf32> to vector<128x128xf32>
    %mul3A_438 = arith.mulf %slice3A_435, %mul3A_437 : vector<128x128xf32>
    %add3A_439 = arith.addf %add3A_434, %mul3A_438 : vector<128x128xf32>
    %slice3A_440 = vector.extract_strided_slice %get3A_3 {offsets = [0, 11136], sizes = [128, 128], strides = [1, 1]} : vector<128x16384xf32> to vector<128x128xf32>
    %slice3A_441 = vector.extract_strided_slice %get3A_6 {offsets = [0, 11136], sizes = [1, 128], strides = [1, 1]} : vector<1x16384xf32> to vector<1x128xf32>
    %mul3A_442 = vector.broadcast %slice3A_441 : vector<1x128xf32> to vector<128x128xf32>
    %mul3A_443 = arith.mulf %slice3A_440, %mul3A_442 : vector<128x128xf32>
    %add3A_444 = arith.addf %add3A_439, %mul3A_443 : vector<128x128xf32>
    %slice3A_445 = vector.extract_strided_slice %get3A_3 {offsets = [0, 11264], sizes = [128, 128], strides = [1, 1]} : vector<128x16384xf32> to vector<128x128xf32>
    %slice3A_446 = vector.extract_strided_slice %get3A_6 {offsets = [0, 11264], sizes = [1, 128], strides = [1, 1]} : vector<1x16384xf32> to vector<1x128xf32>
    %mul3A_447 = vector.broadcast %slice3A_446 : vector<1x128xf32> to vector<128x128xf32>
    %mul3A_448 = arith.mulf %slice3A_445, %mul3A_447 : vector<128x128xf32>
    %add3A_449 = arith.addf %add3A_444, %mul3A_448 : vector<128x128xf32>
    %slice3A_450 = vector.extract_strided_slice %get3A_3 {offsets = [0, 11392], sizes = [128, 128], strides = [1, 1]} : vector<128x16384xf32> to vector<128x128xf32>
    %slice3A_451 = vector.extract_strided_slice %get3A_6 {offsets = [0, 11392], sizes = [1, 128], strides = [1, 1]} : vector<1x16384xf32> to vector<1x128xf32>
    %mul3A_452 = vector.broadcast %slice3A_451 : vector<1x128xf32> to vector<128x128xf32>
    %mul3A_453 = arith.mulf %slice3A_450, %mul3A_452 : vector<128x128xf32>
    %add3A_454 = arith.addf %add3A_449, %mul3A_453 : vector<128x128xf32>
    %slice3A_455 = vector.extract_strided_slice %get3A_3 {offsets = [0, 11520], sizes = [128, 128], strides = [1, 1]} : vector<128x16384xf32> to vector<128x128xf32>
    %slice3A_456 = vector.extract_strided_slice %get3A_6 {offsets = [0, 11520], sizes = [1, 128], strides = [1, 1]} : vector<1x16384xf32> to vector<1x128xf32>
    %mul3A_457 = vector.broadcast %slice3A_456 : vector<1x128xf32> to vector<128x128xf32>
    %mul3A_458 = arith.mulf %slice3A_455, %mul3A_457 : vector<128x128xf32>
    %add3A_459 = arith.addf %add3A_454, %mul3A_458 : vector<128x128xf32>
    %slice3A_460 = vector.extract_strided_slice %get3A_3 {offsets = [0, 11648], sizes = [128, 128], strides = [1, 1]} : vector<128x16384xf32> to vector<128x128xf32>
    %slice3A_461 = vector.extract_strided_slice %get3A_6 {offsets = [0, 11648], sizes = [1, 128], strides = [1, 1]} : vector<1x16384xf32> to vector<1x128xf32>
    %mul3A_462 = vector.broadcast %slice3A_461 : vector<1x128xf32> to vector<128x128xf32>
    %mul3A_463 = arith.mulf %slice3A_460, %mul3A_462 : vector<128x128xf32>
    %add3A_464 = arith.addf %add3A_459, %mul3A_463 : vector<128x128xf32>
    %slice3A_465 = vector.extract_strided_slice %get3A_3 {offsets = [0, 11776], sizes = [128, 128], strides = [1, 1]} : vector<128x16384xf32> to vector<128x128xf32>
    %slice3A_466 = vector.extract_strided_slice %get3A_6 {offsets = [0, 11776], sizes = [1, 128], strides = [1, 1]} : vector<1x16384xf32> to vector<1x128xf32>
    %mul3A_467 = vector.broadcast %slice3A_466 : vector<1x128xf32> to vector<128x128xf32>
    %mul3A_468 = arith.mulf %slice3A_465, %mul3A_467 : vector<128x128xf32>
    %add3A_469 = arith.addf %add3A_464, %mul3A_468 : vector<128x128xf32>
    %slice3A_470 = vector.extract_strided_slice %get3A_3 {offsets = [0, 11904], sizes = [128, 128], strides = [1, 1]} : vector<128x16384xf32> to vector<128x128xf32>
    %slice3A_471 = vector.extract_strided_slice %get3A_6 {offsets = [0, 11904], sizes = [1, 128], strides = [1, 1]} : vector<1x16384xf32> to vector<1x128xf32>
    %mul3A_472 = vector.broadcast %slice3A_471 : vector<1x128xf32> to vector<128x128xf32>
    %mul3A_473 = arith.mulf %slice3A_470, %mul3A_472 : vector<128x128xf32>
    %add3A_474 = arith.addf %add3A_469, %mul3A_473 : vector<128x128xf32>
    %slice3A_475 = vector.extract_strided_slice %get3A_3 {offsets = [0, 12032], sizes = [128, 128], strides = [1, 1]} : vector<128x16384xf32> to vector<128x128xf32>
    %slice3A_476 = vector.extract_strided_slice %get3A_6 {offsets = [0, 12032], sizes = [1, 128], strides = [1, 1]} : vector<1x16384xf32> to vector<1x128xf32>
    %mul3A_477 = vector.broadcast %slice3A_476 : vector<1x128xf32> to vector<128x128xf32>
    %mul3A_478 = arith.mulf %slice3A_475, %mul3A_477 : vector<128x128xf32>
    %add3A_479 = arith.addf %add3A_474, %mul3A_478 : vector<128x128xf32>
    %slice3A_480 = vector.extract_strided_slice %get3A_3 {offsets = [0, 12160], sizes = [128, 128], strides = [1, 1]} : vector<128x16384xf32> to vector<128x128xf32>
    %slice3A_481 = vector.extract_strided_slice %get3A_6 {offsets = [0, 12160], sizes = [1, 128], strides = [1, 1]} : vector<1x16384xf32> to vector<1x128xf32>
    %mul3A_482 = vector.broadcast %slice3A_481 : vector<1x128xf32> to vector<128x128xf32>
    %mul3A_483 = arith.mulf %slice3A_480, %mul3A_482 : vector<128x128xf32>
    %add3A_484 = arith.addf %add3A_479, %mul3A_483 : vector<128x128xf32>
    %slice3A_485 = vector.extract_strided_slice %get3A_3 {offsets = [0, 12288], sizes = [128, 128], strides = [1, 1]} : vector<128x16384xf32> to vector<128x128xf32>
    %slice3A_486 = vector.extract_strided_slice %get3A_6 {offsets = [0, 12288], sizes = [1, 128], strides = [1, 1]} : vector<1x16384xf32> to vector<1x128xf32>
    %mul3A_487 = vector.broadcast %slice3A_486 : vector<1x128xf32> to vector<128x128xf32>
    %mul3A_488 = arith.mulf %slice3A_485, %mul3A_487 : vector<128x128xf32>
    %add3A_489 = arith.addf %add3A_484, %mul3A_488 : vector<128x128xf32>
    %slice3A_490 = vector.extract_strided_slice %get3A_3 {offsets = [0, 12416], sizes = [128, 128], strides = [1, 1]} : vector<128x16384xf32> to vector<128x128xf32>
    %slice3A_491 = vector.extract_strided_slice %get3A_6 {offsets = [0, 12416], sizes = [1, 128], strides = [1, 1]} : vector<1x16384xf32> to vector<1x128xf32>
    %mul3A_492 = vector.broadcast %slice3A_491 : vector<1x128xf32> to vector<128x128xf32>
    %mul3A_493 = arith.mulf %slice3A_490, %mul3A_492 : vector<128x128xf32>
    %add3A_494 = arith.addf %add3A_489, %mul3A_493 : vector<128x128xf32>
    %slice3A_495 = vector.extract_strided_slice %get3A_3 {offsets = [0, 12544], sizes = [128, 128], strides = [1, 1]} : vector<128x16384xf32> to vector<128x128xf32>
    %slice3A_496 = vector.extract_strided_slice %get3A_6 {offsets = [0, 12544], sizes = [1, 128], strides = [1, 1]} : vector<1x16384xf32> to vector<1x128xf32>
    %mul3A_497 = vector.broadcast %slice3A_496 : vector<1x128xf32> to vector<128x128xf32>
    %mul3A_498 = arith.mulf %slice3A_495, %mul3A_497 : vector<128x128xf32>
    %add3A_499 = arith.addf %add3A_494, %mul3A_498 : vector<128x128xf32>
    %slice3A_500 = vector.extract_strided_slice %get3A_3 {offsets = [0, 12672], sizes = [128, 128], strides = [1, 1]} : vector<128x16384xf32> to vector<128x128xf32>
    %slice3A_501 = vector.extract_strided_slice %get3A_6 {offsets = [0, 12672], sizes = [1, 128], strides = [1, 1]} : vector<1x16384xf32> to vector<1x128xf32>
    %mul3A_502 = vector.broadcast %slice3A_501 : vector<1x128xf32> to vector<128x128xf32>
    %mul3A_503 = arith.mulf %slice3A_500, %mul3A_502 : vector<128x128xf32>
    %add3A_504 = arith.addf %add3A_499, %mul3A_503 : vector<128x128xf32>
    %slice3A_505 = vector.extract_strided_slice %get3A_3 {offsets = [0, 12800], sizes = [128, 128], strides = [1, 1]} : vector<128x16384xf32> to vector<128x128xf32>
    %slice3A_506 = vector.extract_strided_slice %get3A_6 {offsets = [0, 12800], sizes = [1, 128], strides = [1, 1]} : vector<1x16384xf32> to vector<1x128xf32>
    %mul3A_507 = vector.broadcast %slice3A_506 : vector<1x128xf32> to vector<128x128xf32>
    %mul3A_508 = arith.mulf %slice3A_505, %mul3A_507 : vector<128x128xf32>
    %add3A_509 = arith.addf %add3A_504, %mul3A_508 : vector<128x128xf32>
    %slice3A_510 = vector.extract_strided_slice %get3A_3 {offsets = [0, 12928], sizes = [128, 128], strides = [1, 1]} : vector<128x16384xf32> to vector<128x128xf32>
    %slice3A_511 = vector.extract_strided_slice %get3A_6 {offsets = [0, 12928], sizes = [1, 128], strides = [1, 1]} : vector<1x16384xf32> to vector<1x128xf32>
    %mul3A_512 = vector.broadcast %slice3A_511 : vector<1x128xf32> to vector<128x128xf32>
    %mul3A_513 = arith.mulf %slice3A_510, %mul3A_512 : vector<128x128xf32>
    %add3A_514 = arith.addf %add3A_509, %mul3A_513 : vector<128x128xf32>
    %slice3A_515 = vector.extract_strided_slice %get3A_3 {offsets = [0, 13056], sizes = [128, 128], strides = [1, 1]} : vector<128x16384xf32> to vector<128x128xf32>
    %slice3A_516 = vector.extract_strided_slice %get3A_6 {offsets = [0, 13056], sizes = [1, 128], strides = [1, 1]} : vector<1x16384xf32> to vector<1x128xf32>
    %mul3A_517 = vector.broadcast %slice3A_516 : vector<1x128xf32> to vector<128x128xf32>
    %mul3A_518 = arith.mulf %slice3A_515, %mul3A_517 : vector<128x128xf32>
    %add3A_519 = arith.addf %add3A_514, %mul3A_518 : vector<128x128xf32>
    %slice3A_520 = vector.extract_strided_slice %get3A_3 {offsets = [0, 13184], sizes = [128, 128], strides = [1, 1]} : vector<128x16384xf32> to vector<128x128xf32>
    %slice3A_521 = vector.extract_strided_slice %get3A_6 {offsets = [0, 13184], sizes = [1, 128], strides = [1, 1]} : vector<1x16384xf32> to vector<1x128xf32>
    %mul3A_522 = vector.broadcast %slice3A_521 : vector<1x128xf32> to vector<128x128xf32>
    %mul3A_523 = arith.mulf %slice3A_520, %mul3A_522 : vector<128x128xf32>
    %add3A_524 = arith.addf %add3A_519, %mul3A_523 : vector<128x128xf32>
    %slice3A_525 = vector.extract_strided_slice %get3A_3 {offsets = [0, 13312], sizes = [128, 128], strides = [1, 1]} : vector<128x16384xf32> to vector<128x128xf32>
    %slice3A_526 = vector.extract_strided_slice %get3A_6 {offsets = [0, 13312], sizes = [1, 128], strides = [1, 1]} : vector<1x16384xf32> to vector<1x128xf32>
    %mul3A_527 = vector.broadcast %slice3A_526 : vector<1x128xf32> to vector<128x128xf32>
    %mul3A_528 = arith.mulf %slice3A_525, %mul3A_527 : vector<128x128xf32>
    %add3A_529 = arith.addf %add3A_524, %mul3A_528 : vector<128x128xf32>
    %slice3A_530 = vector.extract_strided_slice %get3A_3 {offsets = [0, 13440], sizes = [128, 128], strides = [1, 1]} : vector<128x16384xf32> to vector<128x128xf32>
    %slice3A_531 = vector.extract_strided_slice %get3A_6 {offsets = [0, 13440], sizes = [1, 128], strides = [1, 1]} : vector<1x16384xf32> to vector<1x128xf32>
    %mul3A_532 = vector.broadcast %slice3A_531 : vector<1x128xf32> to vector<128x128xf32>
    %mul3A_533 = arith.mulf %slice3A_530, %mul3A_532 : vector<128x128xf32>
    %add3A_534 = arith.addf %add3A_529, %mul3A_533 : vector<128x128xf32>
    %slice3A_535 = vector.extract_strided_slice %get3A_3 {offsets = [0, 13568], sizes = [128, 128], strides = [1, 1]} : vector<128x16384xf32> to vector<128x128xf32>
    %slice3A_536 = vector.extract_strided_slice %get3A_6 {offsets = [0, 13568], sizes = [1, 128], strides = [1, 1]} : vector<1x16384xf32> to vector<1x128xf32>
    %mul3A_537 = vector.broadcast %slice3A_536 : vector<1x128xf32> to vector<128x128xf32>
    %mul3A_538 = arith.mulf %slice3A_535, %mul3A_537 : vector<128x128xf32>
    %add3A_539 = arith.addf %add3A_534, %mul3A_538 : vector<128x128xf32>
    %slice3A_540 = vector.extract_strided_slice %get3A_3 {offsets = [0, 13696], sizes = [128, 128], strides = [1, 1]} : vector<128x16384xf32> to vector<128x128xf32>
    %slice3A_541 = vector.extract_strided_slice %get3A_6 {offsets = [0, 13696], sizes = [1, 128], strides = [1, 1]} : vector<1x16384xf32> to vector<1x128xf32>
    %mul3A_542 = vector.broadcast %slice3A_541 : vector<1x128xf32> to vector<128x128xf32>
    %mul3A_543 = arith.mulf %slice3A_540, %mul3A_542 : vector<128x128xf32>
    %add3A_544 = arith.addf %add3A_539, %mul3A_543 : vector<128x128xf32>
    %slice3A_545 = vector.extract_strided_slice %get3A_3 {offsets = [0, 13824], sizes = [128, 128], strides = [1, 1]} : vector<128x16384xf32> to vector<128x128xf32>
    %slice3A_546 = vector.extract_strided_slice %get3A_6 {offsets = [0, 13824], sizes = [1, 128], strides = [1, 1]} : vector<1x16384xf32> to vector<1x128xf32>
    %mul3A_547 = vector.broadcast %slice3A_546 : vector<1x128xf32> to vector<128x128xf32>
    %mul3A_548 = arith.mulf %slice3A_545, %mul3A_547 : vector<128x128xf32>
    %add3A_549 = arith.addf %add3A_544, %mul3A_548 : vector<128x128xf32>
    %slice3A_550 = vector.extract_strided_slice %get3A_3 {offsets = [0, 13952], sizes = [128, 128], strides = [1, 1]} : vector<128x16384xf32> to vector<128x128xf32>
    %slice3A_551 = vector.extract_strided_slice %get3A_6 {offsets = [0, 13952], sizes = [1, 128], strides = [1, 1]} : vector<1x16384xf32> to vector<1x128xf32>
    %mul3A_552 = vector.broadcast %slice3A_551 : vector<1x128xf32> to vector<128x128xf32>
    %mul3A_553 = arith.mulf %slice3A_550, %mul3A_552 : vector<128x128xf32>
    %add3A_554 = arith.addf %add3A_549, %mul3A_553 : vector<128x128xf32>
    %slice3A_555 = vector.extract_strided_slice %get3A_3 {offsets = [0, 14080], sizes = [128, 128], strides = [1, 1]} : vector<128x16384xf32> to vector<128x128xf32>
    %slice3A_556 = vector.extract_strided_slice %get3A_6 {offsets = [0, 14080], sizes = [1, 128], strides = [1, 1]} : vector<1x16384xf32> to vector<1x128xf32>
    %mul3A_557 = vector.broadcast %slice3A_556 : vector<1x128xf32> to vector<128x128xf32>
    %mul3A_558 = arith.mulf %slice3A_555, %mul3A_557 : vector<128x128xf32>
    %add3A_559 = arith.addf %add3A_554, %mul3A_558 : vector<128x128xf32>
    %slice3A_560 = vector.extract_strided_slice %get3A_3 {offsets = [0, 14208], sizes = [128, 128], strides = [1, 1]} : vector<128x16384xf32> to vector<128x128xf32>
    %slice3A_561 = vector.extract_strided_slice %get3A_6 {offsets = [0, 14208], sizes = [1, 128], strides = [1, 1]} : vector<1x16384xf32> to vector<1x128xf32>
    %mul3A_562 = vector.broadcast %slice3A_561 : vector<1x128xf32> to vector<128x128xf32>
    %mul3A_563 = arith.mulf %slice3A_560, %mul3A_562 : vector<128x128xf32>
    %add3A_564 = arith.addf %add3A_559, %mul3A_563 : vector<128x128xf32>
    %slice3A_565 = vector.extract_strided_slice %get3A_3 {offsets = [0, 14336], sizes = [128, 128], strides = [1, 1]} : vector<128x16384xf32> to vector<128x128xf32>
    %slice3A_566 = vector.extract_strided_slice %get3A_6 {offsets = [0, 14336], sizes = [1, 128], strides = [1, 1]} : vector<1x16384xf32> to vector<1x128xf32>
    %mul3A_567 = vector.broadcast %slice3A_566 : vector<1x128xf32> to vector<128x128xf32>
    %mul3A_568 = arith.mulf %slice3A_565, %mul3A_567 : vector<128x128xf32>
    %add3A_569 = arith.addf %add3A_564, %mul3A_568 : vector<128x128xf32>
    %slice3A_570 = vector.extract_strided_slice %get3A_3 {offsets = [0, 14464], sizes = [128, 128], strides = [1, 1]} : vector<128x16384xf32> to vector<128x128xf32>
    %slice3A_571 = vector.extract_strided_slice %get3A_6 {offsets = [0, 14464], sizes = [1, 128], strides = [1, 1]} : vector<1x16384xf32> to vector<1x128xf32>
    %mul3A_572 = vector.broadcast %slice3A_571 : vector<1x128xf32> to vector<128x128xf32>
    %mul3A_573 = arith.mulf %slice3A_570, %mul3A_572 : vector<128x128xf32>
    %add3A_574 = arith.addf %add3A_569, %mul3A_573 : vector<128x128xf32>
    %slice3A_575 = vector.extract_strided_slice %get3A_3 {offsets = [0, 14592], sizes = [128, 128], strides = [1, 1]} : vector<128x16384xf32> to vector<128x128xf32>
    %slice3A_576 = vector.extract_strided_slice %get3A_6 {offsets = [0, 14592], sizes = [1, 128], strides = [1, 1]} : vector<1x16384xf32> to vector<1x128xf32>
    %mul3A_577 = vector.broadcast %slice3A_576 : vector<1x128xf32> to vector<128x128xf32>
    %mul3A_578 = arith.mulf %slice3A_575, %mul3A_577 : vector<128x128xf32>
    %add3A_579 = arith.addf %add3A_574, %mul3A_578 : vector<128x128xf32>
    %slice3A_580 = vector.extract_strided_slice %get3A_3 {offsets = [0, 14720], sizes = [128, 128], strides = [1, 1]} : vector<128x16384xf32> to vector<128x128xf32>
    %slice3A_581 = vector.extract_strided_slice %get3A_6 {offsets = [0, 14720], sizes = [1, 128], strides = [1, 1]} : vector<1x16384xf32> to vector<1x128xf32>
    %mul3A_582 = vector.broadcast %slice3A_581 : vector<1x128xf32> to vector<128x128xf32>
    %mul3A_583 = arith.mulf %slice3A_580, %mul3A_582 : vector<128x128xf32>
    %add3A_584 = arith.addf %add3A_579, %mul3A_583 : vector<128x128xf32>
    %slice3A_585 = vector.extract_strided_slice %get3A_3 {offsets = [0, 14848], sizes = [128, 128], strides = [1, 1]} : vector<128x16384xf32> to vector<128x128xf32>
    %slice3A_586 = vector.extract_strided_slice %get3A_6 {offsets = [0, 14848], sizes = [1, 128], strides = [1, 1]} : vector<1x16384xf32> to vector<1x128xf32>
    %mul3A_587 = vector.broadcast %slice3A_586 : vector<1x128xf32> to vector<128x128xf32>
    %mul3A_588 = arith.mulf %slice3A_585, %mul3A_587 : vector<128x128xf32>
    %add3A_589 = arith.addf %add3A_584, %mul3A_588 : vector<128x128xf32>
    %slice3A_590 = vector.extract_strided_slice %get3A_3 {offsets = [0, 14976], sizes = [128, 128], strides = [1, 1]} : vector<128x16384xf32> to vector<128x128xf32>
    %slice3A_591 = vector.extract_strided_slice %get3A_6 {offsets = [0, 14976], sizes = [1, 128], strides = [1, 1]} : vector<1x16384xf32> to vector<1x128xf32>
    %mul3A_592 = vector.broadcast %slice3A_591 : vector<1x128xf32> to vector<128x128xf32>
    %mul3A_593 = arith.mulf %slice3A_590, %mul3A_592 : vector<128x128xf32>
    %add3A_594 = arith.addf %add3A_589, %mul3A_593 : vector<128x128xf32>
    %slice3A_595 = vector.extract_strided_slice %get3A_3 {offsets = [0, 15104], sizes = [128, 128], strides = [1, 1]} : vector<128x16384xf32> to vector<128x128xf32>
    %slice3A_596 = vector.extract_strided_slice %get3A_6 {offsets = [0, 15104], sizes = [1, 128], strides = [1, 1]} : vector<1x16384xf32> to vector<1x128xf32>
    %mul3A_597 = vector.broadcast %slice3A_596 : vector<1x128xf32> to vector<128x128xf32>
    %mul3A_598 = arith.mulf %slice3A_595, %mul3A_597 : vector<128x128xf32>
    %add3A_599 = arith.addf %add3A_594, %mul3A_598 : vector<128x128xf32>
    %slice3A_600 = vector.extract_strided_slice %get3A_3 {offsets = [0, 15232], sizes = [128, 128], strides = [1, 1]} : vector<128x16384xf32> to vector<128x128xf32>
    %slice3A_601 = vector.extract_strided_slice %get3A_6 {offsets = [0, 15232], sizes = [1, 128], strides = [1, 1]} : vector<1x16384xf32> to vector<1x128xf32>
    %mul3A_602 = vector.broadcast %slice3A_601 : vector<1x128xf32> to vector<128x128xf32>
    %mul3A_603 = arith.mulf %slice3A_600, %mul3A_602 : vector<128x128xf32>
    %add3A_604 = arith.addf %add3A_599, %mul3A_603 : vector<128x128xf32>
    %slice3A_605 = vector.extract_strided_slice %get3A_3 {offsets = [0, 15360], sizes = [128, 128], strides = [1, 1]} : vector<128x16384xf32> to vector<128x128xf32>
    %slice3A_606 = vector.extract_strided_slice %get3A_6 {offsets = [0, 15360], sizes = [1, 128], strides = [1, 1]} : vector<1x16384xf32> to vector<1x128xf32>
    %mul3A_607 = vector.broadcast %slice3A_606 : vector<1x128xf32> to vector<128x128xf32>
    %mul3A_608 = arith.mulf %slice3A_605, %mul3A_607 : vector<128x128xf32>
    %add3A_609 = arith.addf %add3A_604, %mul3A_608 : vector<128x128xf32>
    %slice3A_610 = vector.extract_strided_slice %get3A_3 {offsets = [0, 15488], sizes = [128, 128], strides = [1, 1]} : vector<128x16384xf32> to vector<128x128xf32>
    %slice3A_611 = vector.extract_strided_slice %get3A_6 {offsets = [0, 15488], sizes = [1, 128], strides = [1, 1]} : vector<1x16384xf32> to vector<1x128xf32>
    %mul3A_612 = vector.broadcast %slice3A_611 : vector<1x128xf32> to vector<128x128xf32>
    %mul3A_613 = arith.mulf %slice3A_610, %mul3A_612 : vector<128x128xf32>
    %add3A_614 = arith.addf %add3A_609, %mul3A_613 : vector<128x128xf32>
    %slice3A_615 = vector.extract_strided_slice %get3A_3 {offsets = [0, 15616], sizes = [128, 128], strides = [1, 1]} : vector<128x16384xf32> to vector<128x128xf32>
    %slice3A_616 = vector.extract_strided_slice %get3A_6 {offsets = [0, 15616], sizes = [1, 128], strides = [1, 1]} : vector<1x16384xf32> to vector<1x128xf32>
    %mul3A_617 = vector.broadcast %slice3A_616 : vector<1x128xf32> to vector<128x128xf32>
    %mul3A_618 = arith.mulf %slice3A_615, %mul3A_617 : vector<128x128xf32>
    %add3A_619 = arith.addf %add3A_614, %mul3A_618 : vector<128x128xf32>
    %slice3A_620 = vector.extract_strided_slice %get3A_3 {offsets = [0, 15744], sizes = [128, 128], strides = [1, 1]} : vector<128x16384xf32> to vector<128x128xf32>
    %slice3A_621 = vector.extract_strided_slice %get3A_6 {offsets = [0, 15744], sizes = [1, 128], strides = [1, 1]} : vector<1x16384xf32> to vector<1x128xf32>
    %mul3A_622 = vector.broadcast %slice3A_621 : vector<1x128xf32> to vector<128x128xf32>
    %mul3A_623 = arith.mulf %slice3A_620, %mul3A_622 : vector<128x128xf32>
    %add3A_624 = arith.addf %add3A_619, %mul3A_623 : vector<128x128xf32>
    %slice3A_625 = vector.extract_strided_slice %get3A_3 {offsets = [0, 15872], sizes = [128, 128], strides = [1, 1]} : vector<128x16384xf32> to vector<128x128xf32>
    %slice3A_626 = vector.extract_strided_slice %get3A_6 {offsets = [0, 15872], sizes = [1, 128], strides = [1, 1]} : vector<1x16384xf32> to vector<1x128xf32>
    %mul3A_627 = vector.broadcast %slice3A_626 : vector<1x128xf32> to vector<128x128xf32>
    %mul3A_628 = arith.mulf %slice3A_625, %mul3A_627 : vector<128x128xf32>
    %add3A_629 = arith.addf %add3A_624, %mul3A_628 : vector<128x128xf32>
    %slice3A_630 = vector.extract_strided_slice %get3A_3 {offsets = [0, 16000], sizes = [128, 128], strides = [1, 1]} : vector<128x16384xf32> to vector<128x128xf32>
    %slice3A_631 = vector.extract_strided_slice %get3A_6 {offsets = [0, 16000], sizes = [1, 128], strides = [1, 1]} : vector<1x16384xf32> to vector<1x128xf32>
    %mul3A_632 = vector.broadcast %slice3A_631 : vector<1x128xf32> to vector<128x128xf32>
    %mul3A_633 = arith.mulf %slice3A_630, %mul3A_632 : vector<128x128xf32>
    %add3A_634 = arith.addf %add3A_629, %mul3A_633 : vector<128x128xf32>
    %slice3A_635 = vector.extract_strided_slice %get3A_3 {offsets = [0, 16128], sizes = [128, 128], strides = [1, 1]} : vector<128x16384xf32> to vector<128x128xf32>
    %slice3A_636 = vector.extract_strided_slice %get3A_6 {offsets = [0, 16128], sizes = [1, 128], strides = [1, 1]} : vector<1x16384xf32> to vector<1x128xf32>
    %mul3A_637 = vector.broadcast %slice3A_636 : vector<1x128xf32> to vector<128x128xf32>
    %mul3A_638 = arith.mulf %slice3A_635, %mul3A_637 : vector<128x128xf32>
    %add3A_639 = arith.addf %add3A_634, %mul3A_638 : vector<128x128xf32>
    %slice3A_640 = vector.extract_strided_slice %get3A_3 {offsets = [0, 16256], sizes = [128, 128], strides = [1, 1]} : vector<128x16384xf32> to vector<128x128xf32>
    %slice3A_641 = vector.extract_strided_slice %get3A_6 {offsets = [0, 16256], sizes = [1, 128], strides = [1, 1]} : vector<1x16384xf32> to vector<1x128xf32>
    %mul3A_642 = vector.broadcast %slice3A_641 : vector<1x128xf32> to vector<128x128xf32>
    %mul3A_643 = arith.mulf %slice3A_640, %mul3A_642 : vector<128x128xf32>
    %add3A_644 = arith.addf %add3A_639, %mul3A_643 : vector<128x128xf32>
    %reduce_sum3A = arith.constant dense<0.000000e+00> : vector<128xf32>
    %reduce_sum3A_645 = vector.multi_reduction <add>, %add3A_644, %reduce_sum3A [1] : vector<128x128xf32> to vector<128xf32>
    %mul3A_646 = arith.constant 128 : i32
    %mul3A_647 = arith.muli %arg1, %mul3A_646 : i32
    %swap3A = arith.constant 0 : index
    %swap3A_648 = arith.constant 0 : index
    %swap3A_649 = arith.index_cast %mul3A_647 : i32 to index
    %swap3A_650 = vector.load %arg4[%swap3A, %swap3A_648, %swap3A_649] : memref<1x1x512xf32, #tpu.memory_space<vmem>>, vector<1x1x128xf32>
    %swap3A_651 = vector.shape_cast %swap3A_650 : vector<1x1x128xf32> to vector<128xf32>
    %swap3A_652 = vector.shape_cast %reduce_sum3A_645 : vector<128xf32> to vector<1x1x128xf32>
    tpu.vector_store %arg4[%swap3A, %swap3A_648, %swap3A_649], %swap3A_652 {strides = array<i32>} : memref<1x1x512xf32, #tpu.memory_space<vmem>>, vector<1x1x128xf32>,
    return
  }
  func.func @transform_0(%arg0: i32, %arg1: i32) -> (i32, i32) {
    %c0_i32 = arith.constant 0 : i32
    %c0_i32_0 = arith.constant 0 : i32
    %c0_i32_1 = arith.constant 0 : i32
    return %c0_i32, %c0_i32_0 : i32, i32
  }
  func.func @transform_1(%arg0: i32, %arg1: i32) -> (i32, i32, i32) {
    %c0_i32 = arith.constant 0 : i32
    %c0_i32_0 = arith.constant 0 : i32
    return %arg0, %arg1, %c0_i32 : i32, i32, i32
  }
  func.func @transform_2(%arg0: i32, %arg1: i32) -> (i32, i32, i32) {
    %c0_i32 = arith.constant 0 : i32
    %c0_i32_0 = arith.constant 0 : i32
    %c0_i32_1 = arith.constant 0 : i32
    return %arg0, %c0_i32, %c0_i32_0 : i32, i32, i32
  }
}

</mosaic_0001>

<sc_bundles>
// kernel: kernel.4.cloned.1.call-start
scs
__scs_entry_jumppad:
0x0: {  	(pc) =	sbr.rel $0x88, $3  }
0x1: {  	(tag) =	ssettag $0x0;
	lr =	simm.s32 $0x1  }
0x2: {  	[smem:$0x3F9E] =	sst lr;
	_ =	strace $0xD0000000  }
0x3: {  	_ = 	snop  }
0x4: {  	_ = 	snop  }
0x5: {  	_ = 	snop  }
0x6: {  	_ = 	snop  }
0x7: {  	_ = 	snop  }
__scs_overlays_trampoline_lowered:
0x8: {  	[smem:$0x3FAD] =	sst s0  }
0x9: {  	[smem:$0x3FAE] =	sst s1  }
0xa: {  	[smem:$0x3FAF] =	sst s2  }
0xb: {  	[smem:$0x3FB0] =	sst s3  }
0xc: {  	[smem:$0x3FB1] =	sst s4  }
0xd: {  	[smem:$0x3FB2] =	sst s5  }
0xe: {  	[smem:$0x3FB3] =	sst s6  }
0xf: {  	[smem:$0x3FB4] =	sst s7  }
0x10: {  	[smem:$0x3FB5] =	sst s8  }
0x11: {  	[smem:$0x3FB6] =	sst s9;
	s0 =	simm.s32 @!p0 $0x0  }
0x12: {  	s1 =	sld [smem:$0x3F9C];
	s0 =	simm.s32 @p0 $0x1  }
0x13: {  	[smem:$0x3FB7] =	sst s0;
	s0 =	simm.s32 @!p1 $0x0  }
0x14: {  	s2 =	sld [smem:$0x3F9B];
	s0 =	simm.s32 @p1 $0x1  }
0x15: {  	[smem:$0x3FB8] =	sst s0;
	s0 =	simm.s32 @!p2 $0x0  }
0x16: {  	s3 =	sld [smem:$0x3FDB];
	s0 =	simm.s32 @p2 $0x1  }
0x17: {  	s4 =	simm.s32 $0x1BF5;
	[smem:$0x3FBA] =	sst s0  }
0x18: {  	s0 =	sld [smem:$0x3F9D];
	_ =	swait.ge [sflag:s4], $0x0  }
0x19: {  	s7 =	sld [smem:$0x3F9E]  }
0x1a: {  	s8 =	sadd.s32 $0xFFFFE003, lr  }
0x1b: {  	s9 =	sadd.s32 $0xFFFFFEF7, lr;
	s5 =	simm.s32 $0xFFFFFFFF;
	p2 =	slt.u32 s8, $0xFFFFF086  }
0x1c: {  	p1 =	slt.u32 s9, $0xF7A;
	s5 =	simm.s32 @!p2 $0x0  }
0x1d: {  	s5 =	simm.s32 @p1 $0x1;
	p0 =	seq.s32 s7, s2  }
0x1e: {  	s7 =	smul.u32 @!p0 $0xF7A, s2;
	p2 =	seq.s32 @!p0 s5, $0x0  }
0x1f: {  	s9 =	smul.u32 $0xF7A, s1;
	s8 =	simm.s32 @!p0 $0x1BF5;
	p2 =	por !p2, p0  }
0x20: {  	[sflag:s8] =	ssyncset.s32 @!p0 $0xFFFFF086;
	s6 =	sadd.s32 @!p0 s3, s7;
	s7 =	simm.s32 @!p0 $0x108  }
0x21: {  	s3 =	sadd.s32 s3, s9;
	s6 =	sadd.s32 @!p0 $0x88, s6;
	s7 =	simm.s32 @p2 $0x1082  }
0x22: {  	[simem:s7], [sflag:s8] =	dma.local @!p0 [hbm:s6], $0xF7A  }
0x23: {  	s9 =	sor.u32 $0xD0000000, s2;
	s6 =	simm.s32 $0x108;
	_ =	swait.ge @!p0 [sflag:s8], $0x0  }
0x24: {  	s3 =	sadd.s32 $0x88, s3;
	s6 =	simm.s32 @!p1 $0x1082;
	[sflag:s4] =	ssyncset.s32 $0xFFFFF086  }
0x25: {  	[simem:s6], [sflag:s4] =	dma.local [hbm:s3], $0xF7A  }
0x26: {  	[smem:$0x3F9E] =	sst s1;
	(tag) =	ssettag s2;
	_ =	strace s9  }
0x27: {  	s1 =	sld [smem:$0x3FAE]  }
0x28: {  	s2 =	sld [smem:$0x3FAF]  }
0x29: {  	s4 =	sld [smem:$0x3FB1]  }
0x2a: {  	p0 =	seq.s32 s5, $0x0;
	s5 =	sld [smem:$0x3FB2]  }
0x2b: {  	s6 =	sld [smem:$0x3FB3]  }
0x2c: {  	s7 =	sld [smem:$0x3FB4]  }
0x2d: {  	s3 =	simm.s32 $0x108;
	s8 =	sld [smem:$0x3FB5]  }
0x2e: {  	s3 =	simm.s32 @!p0 $0x1082;
	s9 =	sld [smem:$0x3FB6]  }
0x2f: {  	lr =	sadd.s32 s0, s3;
	s0 =	sld [smem:$0x3FAD]  }
0x30: {  	s3 =	sld [smem:$0x3FB0]  }
0x31: {  	[smem:$0x3FB9] =	sst s10  }
0x32: {  	s10 =	sld [smem:$0x3FB7];
	_ =	sdelay $0x3  }
0x33: {  	p0 =	seq.s32 s10, $0x1;
	s10 =	sld [smem:$0x3FB9];
	_ =	sdelay $0x3  }
0x34: {  	[smem:$0x3FB9] =	sst s10  }
0x35: {  	s10 =	sld [smem:$0x3FB8];
	_ =	sdelay $0x3  }
0x36: {  	p1 =	seq.s32 s10, $0x1;
	s10 =	sld [smem:$0x3FB9];
	_ =	sdelay $0x3  }
0x37: {  	[smem:$0x3FB9] =	sst s10  }
0x38: {  	s10 =	sld [smem:$0x3FBA]  }
0x39: {  	_ = 	snop;
	(pc) =	sbr.ind lr, $3  }
0x3a: {  	_ = 	snop  }
0x3b: {  	_ = 	snop  }
0x3c: {  	p2 =	seq.s32 s10, $0x1;
	s10 =	sld [smem:$0x3FB9]  }
0x3d: {  	_ =	shalt  }
0x3e: {  	_ =	shalt  }
0x3f: {  	_ =	shalt  }
0x40: {  	_ =	shalt  }
0x41: {  	_ =	shalt  }
0x42: {  	_ =	shalt  }
0x43: {  	_ =	shalt  }
0x44: {  	_ =	shalt  }
0x45: {  	_ =	shalt  }
0x46: {  	_ =	shalt  }
0x47: {  	_ =	shalt  }
0x48: {  	_ =	shalt  }
0x49: {  	_ =	shalt  }
0x4a: {  	_ =	shalt  }
0x4b: {  	_ =	shalt  }
0x4c: {  	_ =	shalt  }
0x4d: {  	_ =	shalt  }
0x4e: {  	_ =	shalt  }
0x4f: {  	_ =	shalt  }
0x50: {  	_ =	shalt  }
0x51: {  	_ =	shalt  }
0x52: {  	_ =	shalt  }
0x53: {  	_ =	shalt  }
0x54: {  	_ =	shalt  }
0x55: {  	_ =	shalt  }
0x56: {  	_ =	shalt  }
0x57: {  	_ =	shalt  }
0x58: {  	_ =	shalt  }
0x59: {  	_ =	shalt  }
0x5a: {  	_ =	shalt  }
0x5b: {  	_ =	shalt  }
0x5c: {  	_ =	shalt  }
0x5d: {  	_ =	shalt  }
0x5e: {  	_ =	shalt  }
0x5f: {  	_ =	shalt  }
0x60: {  	_ =	shalt  }
0x61: {  	_ =	shalt  }
0x62: {  	_ =	shalt  }
0x63: {  	_ =	shalt  }
0x64: {  	_ =	shalt  }
0x65: {  	_ =	shalt  }
0x66: {  	_ =	shalt  }
0x67: {  	_ =	shalt  }
0x68: {  	_ =	shalt  }
0x69: {  	_ =	shalt  }
0x6a: {  	_ =	shalt  }
0x6b: {  	_ =	shalt  }
0x6c: {  	_ =	shalt  }
0x6d: {  	_ =	shalt  }
0x6e: {  	_ =	shalt  }
0x6f: {  	_ =	shalt  }
0x70: {  	_ =	shalt  }
0x71: {  	_ =	shalt  }
0x72: {  	_ =	shalt  }
0x73: {  	_ =	shalt  }
0x74: {  	_ =	shalt  }
0x75: {  	_ =	shalt  }
0x76: {  	_ =	shalt  }
0x77: {  	_ =	shalt  }
0x78: {  	_ =	shalt  }
0x79: {  	_ =	shalt  }
0x7a: {  	_ =	shalt  }
0x7b: {  	_ =	shalt  }
0x7c: {  	_ =	shalt  }
0x7d: {  	_ =	shalt  }
0x7e: {  	_ =	shalt  }
0x7f: {  	_ =	shalt  }
0x80: {  	_ =	shalt  }
0x81: {  	_ =	shalt  }
0x82: {  	_ =	shalt  }
0x83: {  	_ =	shalt  }
0x84: {  	_ =	shalt  }
0x85: {  	_ =	shalt  }
0x86: {  	_ =	shalt  }
0x87: {  	_ =	shalt  }
.Lfunc_end0:
.L_simem_size_0:
called_computation_lowered:
.L_overlay_start_0:
0x88: {  	s0 =	sld [smem:$0x3FD9]  }
0x89: {  	s1 =	sld [smem:$0x3FFE];
	_ =	sdelay $0x3  }
0x8a: {  	s0 =	sadd.s32 s1, s0  }
0x8b: {  	[smem:$0x3FC5] =	sst s0  }
0x8c: {  	_ = 	snop  }
0x8d: {  	s0 =	sld [smem:$0x3FC8];
	(tm) =	ssettm $0x1  }
0x8e: {  	s16 =	sld [smem:$0x3FFB];
	_ =	sdelay $0x3  }
0x8f: {  	_ =	strace s16  }
0x90: {  	s1 =	sld [smem:$0x3FFC];
	_ =	sdelay $0x3  }
0x91: {  	_ =	strace s1  }
0x92: {  	s1 =	sld [smem:$0x3FFD];
	_ =	sdelay $0x3  }
0x93: {  	_ =	strace s1  }
0x94: {  	_ =	strace $0x8FFFFFFF  }
0x95: {  	s17 =	sld [smem:$0x3FDB];
	_ =	sdelay $0x1  }
0x96: {  	s2 =	simm.s32 $_scs_section_size  }
0x97: {  	s3 =	simm.s32 $_size__tile_overlayer_lowered;
	s4 =	simm.s32 $_tile_overlayer_lowered  }
0x98: {  	s20 =	simm.s32 $0x1BFF;
	s19 =	sshll.u32 s4, $0x1;
	s1 =	sadd.s32 s2, s17  }
0x99: {  	s5 =	simm.s32 $0x0;
	s18 =	sshll.u32 s3, $0x1;
	s3 =	sadd.s32 s19, s1  }
0x9a: {  	[timem:s5], [sflag:s20] =	dma.local [hbm:s3], s18  }
0x9b: {  	_ =	swait.ge [sflag:s20], s18  }
0x9c: {  	s2 =	ssub.s32 $0x0, s18;
	[sflag:s20] =	ssyncset.done $0x0  }
0x9d: {  	[sflag:s20] =	ssyncadd.s32 s2;
	_ =	sdelay $0x1  }
0x9e: {  	s21 =	simm.s32 $0x1B8B  }
0x9f: {  	_ =	swait.ge [sflag:s21], $0x1  }
0xa0: {  	[sflag:s21] =	ssyncset.done $0x0  }
0xa1: {  	s23 =	simm.s32 $0x1B8E;
	s22 =	sld [smem:$0x3FFE];
	[sflag:s21] =	ssyncadd.s32 $0xFFFFFFFF  }
0xa2: {  	s24 =	simm.s32 $execute0_lowered;
	[smem:$0x3FD2] =	sst s23  }
0xa3: {  	s3 =	sshll.u32 s24, $0x1;
	_ =	strace $0x80000046;
	[dreg:$0x1] =	wrdreg $0xFFFFFFFF  }
0xa4: {  	s25 =	simm.s32 $_size_execute0_lowered;
	s1 =	sadd.s32 s1, s3;
	[dreg:$0x0] =	wrdreg $0x0  }
0xa5: {  	s3 =	sshll.u32 s25, $0x1;
	[dreg:$0x2] =	wrdreg s1  }
0xa6: {  	[dreg:$0x3] =	wrdreg s3  }
0xa7: {  	[dreg:$0x4] =	wrdreg $0xC0  }
0xa8: {  	_ =	task [dreg:s5], $0x5FFFF  }
0xa9: {  	[dreg:$0x1] =	wrdreg $0xFFFFFFFF  }
0xaa: {  	[dreg:$0x0] =	wrdreg $0x60  }
0xab: {  	[dreg:$0x2] =	wrdreg s22  }
0xac: {  	[dreg:$0x3] =	wrdreg s0  }
0xad: {  	[dreg:$0x4] =	wrdreg $0x9  }
0xae: {  	_ =	task.clear_ibuf [dreg:s5], $0x5FFFF;
	_ =	strace $0x90000046  }
0xaf: {  	s26 =	simm.s32 $0x9;
	_ =	strace $0x80000048  }
0xb0: {  	_ =	swait.ge [sflag:s26], $0x1  }
0xb1: {  	[sflag:s26] =	ssyncadd.s32 $0xFFFFFFFF  }
0xb2: {  	_ =	strace $0x90000048  }
0xb3: {  	_ =	sfence  }
0xb4: {  	s28 =	sld [smem:$0x0];
	_ =	sdelay $0x1  }
0xb5: {  	s29 =	srdreg.scid  }
0xb6: {  	s30 =	sshll.u32 s29, $0xD;
	s31 =	sshrl.u32 s29, $0x2  }
0xb7: {  	s2 =	sand.u32 $0x4000, s30;
	s1 =	sand.u32 $0x1, s29;
	s0 =	sadd.s32 s31, s28  }
0xb8: {  	s1 =	sor.u32 s2, s1;
	s0 =	sshll.u32 s0, $0x11  }
0xb9: {  	s0 =	sor.u32 s0, s1  }
0xba: {  	s0 =	sadd.s32 $0x8F2B, s0  }
0xbb: {  	[sflag:s0] =	ssyncadd.remote.s32 $0x1  }
0xbc: {  	_ =	sfence.sel $0xFFFF  }
0xbd: {  	[dreg:$0x0] =	wrdreg $0xFFFFFFFF;
	(pc) =	sbr.abs _section_cstart, $3  }
0xbe: {  	[dreg:$0x1] =	wrdreg $0xFFFFFFFF  }
0xbf: {  	_ =	task.clear_ibuf [dreg:s5], $0x2FFFF;
	_ =	strace $0x9FFFFFFF  }
0xc0: {  	(tm) =	ssettm $0x7FFFFFFF  }
0xc1: {  	_ =	shalt  }
tec
execute0_lowered:
.L_overlay_start_1:
0x0: {  	(tag) =	ssettag $0x1  }
0x1: {  	s1 =	stileid.u32  }
0x2: {  	p0 =	sgt.u32 s1, $0x3  }
.Ltmp0:
0x3: {  	_ = 	snop;
	(pc) =	sbr.rel @p0 .LBB2_8-.Ltmp0, $4  }
0x4: {  	s2 =	rddreg [dreg:$0x0]  }
0x5: {  	s5 =	rddreg [dreg:$0x1];
	s3 =	simm.s32 $0x0  }
0x6: {  	[smem:$0x7FF] =	sst s3  }
0x7: {  	s0 =	rddreg [dreg:$0x2];
	_ =	strace $0x80000047  }
0x8: {  	v0 =	vlaneseq.u32  }
0x9: {  	s4 =	sadd.s32 $0x400, s2;
	v1 =	vmov s1;
	s6 =	sshll.u32 s1, $0x6;
	v3 =	vimm.s32 $0x67E;
	v2 =	vor.u32 s3, v0  }
0xa: {  	vm1 =	vcmask $0x300;
	s26 =	simm.s32 $0x1;
	vm14 =	vcmask $0x704;
	s4 =	sadd.s32 s4, s6;
	vm0 =	vlt.s32 v2, $0x1FE  }
0xb: {  	vm15 =	vcmask $0xB08;
	v1 =	vshll.u32 v1, $0x7;
	[tilespmem:s3], [sflag:$0x1] =	stream.linear.gather [hbm4b:s4+s3], $0x200, $0x38;
	v2 =	vnsel vm0, $0x1FE, v2;
	[tilespmem:$0xC80] =	vst v63  }
0xc: {  	v3 =	vsel vm1, $0x670, v3;
	v1 =	vbroadcast v1, $0x0;
	_ =	swait.ge [sflag:s26], $0x200;
	v4 =	vshll.u32 v2, $0x2  }
0xd: {  	v3 =	vsel vm14, $0x671, v3;
	v2 =	vand.u32 $0x7F, v2;
	[sflag:s26] =	ssyncset.done $0x0;
	v4 =	vand.u32 $0x600, v4  }
0xe: {  	vm4 =	vcmask $0xF0C;
	s4 =	simm.s32 $0x200;
	v3 =	vsel vm15, $0x672, v3;
	[sflag:s26] =	ssyncadd.s32 $0xFFFFFE00;
	v2 =	vor.u32 v2, v4  }
0xf: {  	vm5 =	vcmask $0x1310;
	v3 =	vsel vm4, $0x673, v3;
	[tilespmem:s4], [sflag:$0x1] =	stream.linear.gather [hbm4b:s5+s3], $0x800, $0x38;
	v2 =	vor.u32 v1, v2;
	[tilespmem:$0xC80] =	vst v63  }
0x10: {  	vm6 =	vcmask $0x1714;
	v3 =	vsel vm5, $0x674, v3;
	_ =	swait.ge [sflag:s26], $0x800  }
0x11: {  	vm7 =	vcmask $0x1B18;
	v3 =	vsel vm6, $0x675, v3;
	[sflag:s26] =	ssyncset.done $0x0  }
0x12: {  	vm8 =	vcmask $0x1F1C;
	v3 =	vsel vm7, $0x676, v3;
	[sflag:s26] =	ssyncadd.s32 $0xFFFFF800  }
0x13: {  	vm9 =	vcmask $0x2320;
	v3 =	vsel vm8, $0x677, v3;
	v4 =	vld [tilespmem:s3+$0x0]  }
0x14: {  	vm10 =	vcmask $0x2724;
	v3 =	vsel vm9, $0x678, v3;
	v2 =	vld.idx.msk [tilespmem:v2+s4+$0x0], $0xffff  }
0x15: {  	vm11 =	vcmask $0x2B28;
	s28 =	simm.s32 $0x10;
	v3 =	vsel vm10, $0x679, v3  }
0x16: {  	vm12 =	vcmask $0x2F2C;
	v5 =	vor.u32 s28, v0;
	v3 =	vsel vm11, $0x67A, v3  }
0x17: {  	vm13 =	vcmask $0x3330;
	vm14 =	vlt.s32 v5, $0x1FE;
	v3 =	vsel vm12, $0x67B, v3  }
0x18: {  	v5 =	vnsel vm14, $0x1FE, v5;
	vm15 =	vcmask $0x3734;
	v3 =	vsel vm13, $0x67C, v3  }
0x19: {  	v6 =	vshll.u32 v5, $0x2;
	v3 =	vsel vm15, $0x67D, v3;
	v4 =	vsub.f32 v2, v4  }
0x1a: {  	v2 =	vadd.s32 v3, v1;
	v3 =	vand.u32 $0x7F, v5;
	v5 =	vand.u32 $0x600, v6  }
0x1b: {  	v3 =	vor.u32 v3, v5  }
0x1c: {  	v7 =	vand.u32 $0x7FFFFFFF, v4;
	v4 =	vor.u32 v1, v3;
	_ =	sdelay $0x1  }
0x1d: {  	s29 =	sshll.u32 s1, $0x4  }
0x1e: {  	s31 =	simm.s32 $0x20;
	s30 =	sadd.s32 s29, s2;
	s5 =	simm.s32 $0xA00;
	v6 =	vimm.f32 $0.0e+00  }
0x1f: {  	s6 =	simm.s32 $0x30;
	s2 =	sadd.s32 $0x600, s30;
	v5 =	vor.u32 s31, v0;
	[tilespmem:s5+$0x0] =	vst v7;
	v3 =	vadd.f32 v7, v6  }
.LBB2_2:
0x20: {  	p0 =	sne.s32 s6, $0x1E0;
	vm0 =	vlt.s32 v5, $0x1FE;
	v6 =	vld.idx.msk [tilespmem:v4+s4+$0x0], $0xffff;
	s3 =	sadd.s32 $0x10, s3  }
0x21: {  	v4 =	vnsel vm0, $0x1FE, v5;
	v5 =	vld [tilespmem:s3+$0x0]  }
0x22: {  	v7 =	vshll.u32 v4, $0x2  }
0x23: {  	v4 =	vand.u32 $0x7F, v4;
	v7 =	vand.u32 $0x600, v7  }
0x24: {  	v4 =	vor.u32 v4, v7  }
.Ltmp1:
0x25: {  	v4 =	vor.u32 v1, v4;
	(pc) =	sbr.rel @p0 .LBB2_2-.Ltmp1, $3  }
0x26: {  	v5 =	vsub.f32 v6, v5;
	_ =	sdelay $0x1  }
0x27: {  	s5 =	sadd.s32 $0x10, s5;
	v6 =	vand.u32 $0x7FFFFFFF, v5  }
0x28: {  	v5 =	vor.u32 s6, v0;
	s6 =	sadd.s32 $0x10, s6;
	[tilespmem:s5+$0x0] =	vst v6;
	v3 =	vadd.f32 v6, v3  }
0x29: {  	_ =	sdelay $0x3  }
0x2a: {  	vm0 =	vlt.s32 v5, $0x1FE;
	v0 =	vld.idx.msk [tilespmem:v4+s4+$0x0], $0xffff;
	s3 =	sadd.s32 $0x10, s3  }
0x2b: {  	v4 =	vnsel vm0, $0x1FE, v5;
	v5 =	vld [tilespmem:s3+$0x0]  }
0x2c: {  	v6 =	vshll.u32 v4, $0x2  }
0x2d: {  	v4 =	vand.u32 $0x7F, v4;
	v6 =	vand.u32 $0x600, v6  }
0x2e: {  	v4 =	vor.u32 v4, v6  }
0x2f: {  	v1 =	vor.u32 v1, v4  }
0x30: {  	v0 =	vsub.f32 v0, v5;
	_ =	sdelay $0x1  }
0x31: {  	s5 =	sadd.s32 $0x10, s5;
	v0 =	vand.u32 $0x7FFFFFFF, v0  }
0x32: {  	[tilespmem:s5+$0x0] =	vst v0  }
0x33: {  	s3 =	sadd.s32 $0x10, s3;
	v1 =	vld.idx.msk [tilespmem:v1+s4+$0x0], $0xffff  }
0x34: {  	v4 =	vld [tilespmem:s3+$0x0];
	_ =	sdelay $0x4  }
0x35: {  	v1 =	vsub.f32 v1, v4;
	_ =	sdelay $0x1  }
0x36: {  	s30 =	sadd.s32 $0x10, s5;
	v1 =	vand.u32 $0x7FFFFFFF, v1  }
0x37: {  	[tilespmem:s30+$0x0] =	vst v1  }
0x38: {  	s31 =	simm.s32 $0x200;
	v4 =	vld [tilespmem:$0x1F0]  }
0x39: {  	v2 =	vld.idx.msk [tilespmem:v2+s31+$0x0], $0xffff  }
0x3a: {  	v34 =	vld [tilespmem:$0xA00]  }
0x3b: {  	v29 =	vld [tilespmem:$0xA10]  }
0x3c: {  	v24 =	vld [tilespmem:$0xA20]  }
0x3d: {  	v20 =	vld [tilespmem:$0xA30]  }
0x3e: {  	v17 =	vld [tilespmem:$0xA40]  }
0x3f: {  	v5 =	vlaneseq.u32;
	v13 =	vld [tilespmem:$0xA50]  }
0x40: {  	vm15 =	veq.s32 v5, $0xF;
	v9 =	vld [tilespmem:$0xA60]  }
0x41: {  	v5 =	vimm.s32 $0x67452301;
	v0 =	vadd.f32 v0, v3;
	v3 =	vimm.s32 $0xEFCDAB89;
	v8 =	vld [tilespmem:$0xA70]  }
0x42: {  	v5 =	vunpack.c.l.s4.s8 v5;
	v3 =	vunpack.c.l.s4.s8 v3;
	v10 =	vld [tilespmem:$0xA80]  }
0x43: {  	v14 =	vld [tilespmem:$0xA90]  }
0x44: {  	v0 =	vadd.f32 v1, v0;
	v1 =	vunpack.c.0.s8.s32 v3;
	v3 =	vunpack.c.0.s8.s32 v5;
	v11 =	vld [tilespmem:$0xAA0]  }
0x45: {  	v5 =	vimm.s32 $0xDCFE98BA;
	v15 =	vld [tilespmem:$0xAB0];
	v2 =	vsel vm15, $0x0, v2  }
0x46: {  	v16 =	vld [tilespmem:$0xAC0];
	v2 =	vsub.f32 v2, v4;
	v4 =	vcombine.low v3, v1;
	v3 =	vimm.s32 $0x54761032  }
0x47: {  	v12 =	vimm.s32 $0x32107654;
	v18 =	vld [tilespmem:$0xAD0];
	v1 =	vunpack.c.l.s4.s8 v5;
	v3 =	vunpack.c.l.s4.s8 v3  }
0x48: {  	vm1 =	vmmov $0x7fff;
	v12 =	vunpack.c.l.s4.s8 v12;
	v19 =	vld [tilespmem:$0xAE0];
	v2 =	vand.u32 $0x7FFFFFFF, v2  }
0x49: {  	v21 =	vld [tilespmem:$0xAF0];
	v1 =	vunpack.c.0.s8.s32 v1;
	v5 =	vsel vm15, $0x0, v2;
	v3 =	vunpack.c.0.s8.s32 v3  }
0x4a: {  	v22 =	vld [tilespmem:$0xB00];
	v7 =	vand.u32 $0xF, v4;
	v0 =	vadd.f32 v5, v0;
	v5 =	vimm.s32 $0xBA98FEDC  }
0x4b: {  	v25 =	vld [tilespmem:$0xB10];
	v6 =	vsel vm1, $0x0, v2;
	v27 =	vunpack.c.l.s4.s8 v5;
	v5 =	vcombine.low v3, v1  }
0x4c: {  	v26 =	vld [tilespmem:$0xB20];
	v1 =	vperm.xlane v6, v7;
	v23 =	vperm.xlane v0, v7  }
0x4d: {  	v28 =	vld [tilespmem:$0xB40];
	v7 =	vunpack.c.0.s8.s32 v12;
	v3 =	vunpack.c.0.s8.s32 v27  }
0x4e: {  	v30 =	vld [tilespmem:$0xB50];
	v1 =	vadd.f32 v1, v6;
	v0 =	vadd.f32 v0, v23  }
0x4f: {  	v31 =	vld [tilespmem:$0xB60];
	v12 =	vand.u32 $0xF, v5;
	v6 =	vcombine.low v7, v3  }
0x50: {  	v32 =	vld [tilespmem:$0xB70];
	v3 =	vimm.s32 $0xFEDCBA98;
	v23 =	vperm.xlane v0, v12;
	v12 =	vperm.xlane v1, v12  }
0x51: {  	v35 =	vld [tilespmem:$0xB80];
	v7 =	vimm.s32 $0x76543210;
	v3 =	vunpack.c.l.s4.s8 v3  }
0x52: {  	v36 =	vld [tilespmem:$0xB90];
	v7 =	vunpack.c.l.s4.s8 v7;
	v0 =	vadd.f32 v0, v23;
	v1 =	vadd.f32 v12, v1  }
0x53: {  	v37 =	vld [tilespmem:$0xBA0];
	v23 =	vand.u32 $0xF, v6;
	v3 =	vunpack.c.0.s8.s32 v3  }
0x54: {  	v38 =	vld [tilespmem:$0xBB0];
	v7 =	vunpack.c.0.s8.s32 v7;
	v12 =	vperm.xlane v0, v23;
	v23 =	vperm.xlane v1, v23  }
0x55: {  	v42 =	vimm.s32 $0x7F800000;
	v39 =	vld [tilespmem:$0xBC0];
	v3 =	vand.u32 $0xF, v3  }
0x56: {  	v33 =	vld [tilespmem:$0xBD0];
	v7 =	vcombine.low v3, v7;
	v0 =	vadd.f32 v0, v12;
	v1 =	vadd.f32 v23, v1  }
0x57: {  	v40 =	vld [tilespmem:$0xBE0];
	v41 =	vsel vm15, $0xBF800000, v2;
	v23 =	vimm.s32 $0x0;
	v12 =	vimm.s32 $0x0  }
0x58: {  	s3 =	simm.s32 $0x1E;
	[tilespmem:$0xBF0] =	vst v41;
	v27 =	vld [tilespmem:$0xB30];
	v43 =	vsub.s32 v42, v23;
	v2 =	vperm.xlane v0, v7;
	v3 =	vperm.xlane v1, v7  }
.LBB2_4:
0x59: {  	p0 =	sne.s32 s3, $0x1;
	v43 =	vshrl.u32 v43, $0x1  }
0x5a: {  	v43 =	vadd.s32 v12, v43  }
0x5b: {  	vm0 =	vgt.f32 v34, v43;
	vm1 =	vgt.f32 v41, v43  }
0x5c: {  	v44 =	vsel vm0, $0x1, v23;
	vm0 =	vgt.f32 v29, v43;
	v45 =	vsel vm1, $0x1, v23  }
0x5d: {  	v46 =	vsel vm0, $0x1, v23;
	vm0 =	vgt.f32 v24, v43;
	v44 =	vadd.s32 v45, v44  }
0x5e: {  	v45 =	vsel vm0, $0x1, v23;
	vm0 =	vgt.f32 v20, v43;
	v44 =	vadd.s32 v46, v44  }
0x5f: {  	v46 =	vsel vm0, $0x1, v23;
	vm0 =	vgt.f32 v17, v43;
	v44 =	vadd.s32 v45, v44  }
0x60: {  	v45 =	vsel vm0, $0x1, v23;
	vm0 =	vgt.f32 v13, v43;
	v44 =	vadd.s32 v46, v44  }
0x61: {  	v46 =	vsel vm0, $0x1, v23;
	vm0 =	vgt.f32 v9, v43;
	v44 =	vadd.s32 v45, v44  }
0x62: {  	v45 =	vsel vm0, $0x1, v23;
	vm0 =	vgt.f32 v8, v43;
	v44 =	vadd.s32 v46, v44  }
0x63: {  	v46 =	vsel vm0, $0x1, v23;
	vm0 =	vgt.f32 v10, v43;
	v44 =	vadd.s32 v45, v44  }
0x64: {  	v45 =	vsel vm0, $0x1, v23;
	vm0 =	vgt.f32 v14, v43;
	v44 =	vadd.s32 v46, v44  }
0x65: {  	v46 =	vsel vm0, $0x1, v23;
	vm0 =	vgt.f32 v11, v43;
	v44 =	vadd.s32 v45, v44  }
0x66: {  	v45 =	vsel vm0, $0x1, v23;
	vm0 =	vgt.f32 v15, v43;
	v44 =	vadd.s32 v46, v44  }
0x67: {  	v46 =	vsel vm0, $0x1, v23;
	vm0 =	vgt.f32 v16, v43;
	v44 =	vadd.s32 v45, v44  }
0x68: {  	v45 =	vsel vm0, $0x1, v23;
	vm0 =	vgt.f32 v18, v43;
	v44 =	vadd.s32 v46, v44  }
0x69: {  	v46 =	vsel vm0, $0x1, v23;
	vm0 =	vgt.f32 v19, v43;
	v44 =	vadd.s32 v45, v44  }
0x6a: {  	v45 =	vsel vm0, $0x1, v23;
	vm0 =	vgt.f32 v21, v43;
	v44 =	vadd.s32 v46, v44  }
0x6b: {  	v46 =	vsel vm0, $0x1, v23;
	vm0 =	vgt.f32 v22, v43;
	v44 =	vadd.s32 v45, v44  }
0x6c: {  	v45 =	vsel vm0, $0x1, v23;
	vm0 =	vgt.f32 v25, v43;
	v44 =	vadd.s32 v46, v44  }
0x6d: {  	v46 =	vsel vm0, $0x1, v23;
	vm0 =	vgt.f32 v26, v43;
	v44 =	vadd.s32 v45, v44  }
0x6e: {  	v45 =	vsel vm0, $0x1, v23;
	vm0 =	vgt.f32 v27, v43;
	v44 =	vadd.s32 v46, v44  }
0x6f: {  	v46 =	vsel vm0, $0x1, v23;
	vm0 =	vgt.f32 v28, v43;
	v44 =	vadd.s32 v45, v44  }
0x70: {  	v45 =	vsel vm0, $0x1, v23;
	vm0 =	vgt.f32 v30, v43;
	v44 =	vadd.s32 v46, v44  }
0x71: {  	v46 =	vsel vm0, $0x1, v23;
	vm0 =	vgt.f32 v31, v43;
	v44 =	vadd.s32 v45, v44  }
0x72: {  	v45 =	vsel vm0, $0x1, v23;
	vm0 =	vgt.f32 v32, v43;
	v44 =	vadd.s32 v46, v44  }
0x73: {  	v46 =	vsel vm0, $0x1, v23;
	vm0 =	vgt.f32 v35, v43;
	v44 =	vadd.s32 v45, v44  }
0x74: {  	v45 =	vsel vm0, $0x1, v23;
	vm0 =	vgt.f32 v36, v43;
	v44 =	vadd.s32 v46, v44  }
0x75: {  	v46 =	vsel vm0, $0x1, v23;
	vm0 =	vgt.f32 v37, v43;
	v44 =	vadd.s32 v45, v44  }
0x76: {  	v45 =	vsel vm0, $0x1, v23;
	vm0 =	vgt.f32 v38, v43;
	v44 =	vadd.s32 v46, v44  }
0x77: {  	v46 =	vsel vm0, $0x1, v23;
	vm0 =	vgt.f32 v39, v43;
	v44 =	vadd.s32 v45, v44  }
0x78: {  	v45 =	vsel vm0, $0x1, v23;
	vm0 =	vgt.f32 v33, v43;
	v44 =	vadd.s32 v46, v44  }
0x79: {  	v46 =	vsel vm0, $0x1, v23;
	vm0 =	vgt.f32 v40, v43;
	v44 =	vadd.s32 v45, v44  }
0x7a: {  	v45 =	vsel vm0, $0x1, v23;
	v44 =	vadd.s32 v46, v44  }
0x7b: {  	v44 =	vadd.s32 v45, v44  }
0x7c: {  	v45 =	vperm.xlane v44, v4;
	_ =	sdelay $0x1  }
0x7d: {  	v44 =	vadd.s32 v45, v44  }
0x7e: {  	v45 =	vperm.xlane v44, v5;
	_ =	sdelay $0x1  }
0x7f: {  	v44 =	vadd.s32 v45, v44  }
0x80: {  	v45 =	vperm.xlane v44, v6;
	_ =	sdelay $0x1  }
0x81: {  	v44 =	vadd.s32 v45, v44  }
0x82: {  	v45 =	vperm.xlane v44, v7  }
.Ltmp2:
0x83: {  	(pc) =	sbr.rel @p0 .LBB2_4-.Ltmp2, $4  }
0x84: {  	v44 =	vadd.s32 v45, v44  }
0x85: {  	vm0 =	vgt.s32 v44, $0x32;
	v44 =	vadd.s32 $0x1, v43  }
0x86: {  	v12 =	vsel vm0, v44, v12;
	v42 =	vsel vm0, v42, v43  }
0x87: {  	s3 =	sadd.s32 $0xFFFFFFFF, s3;
	v43 =	vsub.s32 v42, v12  }
0x88: {  	v42 =	vshrl.u32 v43, $0x1  }
0x89: {  	v42 =	vadd.s32 v12, v42  }
0x8a: {  	vm0 =	vgt.f32 v34, v42;
	vm1 =	vgt.f32 v41, v42  }
0x8b: {  	vm9 =	vgt.f32 v29, v42;
	v34 =	vsel vm0, $0x1, v23;
	v53 =	vsel vm1, $0x1, v23  }
0x8c: {  	vm10 =	vgt.f32 v24, v42;
	v54 =	vsel vm9, $0x1, v23;
	v55 =	vadd.s32 v53, v34  }
0x8d: {  	vm11 =	vgt.f32 v20, v42;
	v56 =	vsel vm10, $0x1, v23;
	v57 =	vadd.s32 v54, v55  }
0x8e: {  	vm12 =	vgt.f32 v17, v42;
	v58 =	vsel vm11, $0x1, v23;
	v59 =	vadd.s32 v56, v57  }
0x8f: {  	vm13 =	vgt.f32 v13, v42;
	v60 =	vsel vm12, $0x1, v23;
	v61 =	vadd.s32 v58, v59  }
0x90: {  	vm14 =	vgt.f32 v9, v42;
	v62 =	vsel vm13, $0x1, v23;
	v9 =	vadd.s32 v60, v61  }
0x91: {  	vm15 =	vgt.f32 v8, v42;
	v63 =	vsel vm14, $0x1, v23;
	v8 =	vadd.s32 v62, v9  }
0x92: {  	vm4 =	vgt.f32 v10, v42;
	v9 =	vsel vm15, $0x1, v23;
	v8 =	vadd.s32 v63, v8  }
0x93: {  	vm5 =	vgt.f32 v14, v42;
	v10 =	vsel vm4, $0x1, v23;
	v8 =	vadd.s32 v9, v8  }
0x94: {  	vm6 =	vgt.f32 v11, v42;
	v9 =	vsel vm5, $0x1, v23;
	v8 =	vadd.s32 v10, v8  }
0x95: {  	vm7 =	vgt.f32 v15, v42;
	v10 =	vsel vm6, $0x1, v23;
	v8 =	vadd.s32 v9, v8  }
0x96: {  	vm8 =	vgt.f32 v16, v42;
	v9 =	vsel vm7, $0x1, v23;
	v8 =	vadd.s32 v10, v8  }
0x97: {  	vm9 =	vgt.f32 v18, v42;
	v10 =	vsel vm8, $0x1, v23;
	v8 =	vadd.s32 v9, v8  }
0x98: {  	vm10 =	vgt.f32 v19, v42;
	v9 =	vsel vm9, $0x1, v23;
	v8 =	vadd.s32 v10, v8  }
0x99: {  	vm11 =	vgt.f32 v21, v42;
	v10 =	vsel vm10, $0x1, v23;
	v8 =	vadd.s32 v9, v8  }
0x9a: {  	vm12 =	vgt.f32 v22, v42;
	v9 =	vsel vm11, $0x1, v23;
	v8 =	vadd.s32 v10, v8  }
0x9b: {  	vm13 =	vgt.f32 v25, v42;
	v10 =	vsel vm12, $0x1, v23;
	v8 =	vadd.s32 v9, v8  }
0x9c: {  	vm14 =	vgt.f32 v26, v42;
	v9 =	vsel vm13, $0x1, v23;
	v8 =	vadd.s32 v10, v8  }
0x9d: {  	vm15 =	vgt.f32 v27, v42;
	v10 =	vsel vm14, $0x1, v23;
	v8 =	vadd.s32 v9, v8  }
0x9e: {  	vm4 =	vgt.f32 v28, v42;
	v9 =	vsel vm15, $0x1, v23;
	v8 =	vadd.s32 v10, v8  }
0x9f: {  	vm5 =	vgt.f32 v30, v42;
	v10 =	vsel vm4, $0x1, v23;
	v8 =	vadd.s32 v9, v8  }
0xa0: {  	vm6 =	vgt.f32 v31, v42;
	v9 =	vsel vm5, $0x1, v23;
	v8 =	vadd.s32 v10, v8  }
0xa1: {  	vm7 =	vgt.f32 v32, v42;
	v10 =	vsel vm6, $0x1, v23;
	v8 =	vadd.s32 v9, v8  }
0xa2: {  	vm8 =	vgt.f32 v35, v42;
	v9 =	vsel vm7, $0x1, v23;
	v8 =	vadd.s32 v10, v8  }
0xa3: {  	vm9 =	vgt.f32 v36, v42;
	v10 =	vsel vm8, $0x1, v23;
	v8 =	vadd.s32 v9, v8  }
0xa4: {  	vm10 =	vgt.f32 v37, v42;
	v9 =	vsel vm9, $0x1, v23;
	v8 =	vadd.s32 v10, v8  }
0xa5: {  	vm11 =	vgt.f32 v38, v42;
	v10 =	vsel vm10, $0x1, v23;
	v8 =	vadd.s32 v9, v8  }
0xa6: {  	vm12 =	vgt.f32 v39, v42;
	v9 =	vsel vm11, $0x1, v23;
	v8 =	vadd.s32 v10, v8  }
0xa7: {  	vm13 =	vgt.f32 v33, v42;
	v10 =	vsel vm12, $0x1, v23;
	v8 =	vadd.s32 v9, v8  }
0xa8: {  	vm14 =	vgt.f32 v40, v42;
	v9 =	vsel vm13, $0x1, v23;
	v8 =	vadd.s32 v10, v8  }
0xa9: {  	v10 =	vsel vm14, $0x1, v23;
	v8 =	vadd.s32 v9, v8  }
0xaa: {  	v8 =	vadd.s32 v10, v8  }
0xab: {  	v4 =	vperm.xlane v8, v4;
	_ =	sdelay $0x1  }
0xac: {  	v4 =	vadd.s32 v4, v8  }
0xad: {  	v5 =	vperm.xlane v4, v5;
	_ =	sdelay $0x1  }
0xae: {  	v4 =	vadd.s32 v5, v4  }
0xaf: {  	v5 =	vperm.xlane v4, v6;
	_ =	sdelay $0x1  }
0xb0: {  	v4 =	vadd.s32 v5, v4  }
0xb1: {  	v5 =	vperm.xlane v4, v7;
	_ =	sdelay $0x1  }
0xb2: {  	s4 =	simm.s32 $0x0;
	v4 =	vadd.s32 v5, v4  }
0xb3: {  	v8 =	vld [tilespmem:s4+$0xA00];
	v6 =	vimm.s32 $0x0;
	vm15 =	vgt.s32 v4, $0x32;
	v4 =	vadd.s32 $0x1, v42  }
0xb4: {  	s3 =	simm.s32 $0x40;
	v7 =	vimm.f32 $0.0e+00;
	v5 =	vimm.s32 $0x0;
	v4 =	vsel vm15, v4, v12  }
.LBB2_6:
0xb5: {  	p0 =	sne.s32 s3, $0x7C0  }
.Ltmp3:
0xb6: {  	_ = 	snop;
	(pc) =	sbr.rel @p0 .LBB2_6-.Ltmp3, $4  }
0xb7: {  	_ = 	snop  }
0xb8: {  	s4 =	sshra.s32 s3, $0x2;
	s3 =	sadd.s32 $0x40, s3;
	vm0 =	vgt.f32 v8, v4  }
0xb9: {  	v9 =	vnsel vm0, $0x0, v8;
	v8 =	vld [tilespmem:s4+$0xA00];
	v10 =	vsel vm0, $0x1, v6  }
0xba: {  	v7 =	vadd.f32 v9, v7;
	v5 =	vadd.s32 v10, v5  }
0xbb: {  	v9 =	vimm.s32 $0xEFCDAB89;
	v10 =	vimm.s32 $0x67452301  }
0xbc: {  	v9 =	vunpack.c.l.s4.s8 v9;
	v10 =	vunpack.c.l.s4.s8 v10  }
0xbd: {  	v48 =	vimm.s32 $0xDCFE98BA;
	v11 =	vimm.s32 $0x54761032;
	v53 =	vimm.s32 $0xBA98FEDC  }
0xbe: {  	v12 =	vimm.s32 $0x32107654;
	v9 =	vunpack.c.0.s8.s32 v9;
	v10 =	vunpack.c.0.s8.s32 v10  }
0xbf: {  	v56 =	vimm.s32 $0xFEDCBA98;
	v11 =	vunpack.c.l.s4.s8 v11;
	v54 =	vunpack.c.l.s4.s8 v53  }
0xc0: {  	vm0 =	vgt.f32 v8, v4;
	v9 =	vcombine.low v10, v9;
	v10 =	vunpack.c.l.s4.s8 v48  }
0xc1: {  	v55 =	vunpack.c.l.s4.s8 v12;
	v51 =	vunpack.c.0.s8.s32 v11;
	v8 =	vnsel vm0, $0x0, v8  }
0xc2: {  	v6 =	vsel vm0, $0x1, v6;
	v7 =	vadd.f32 v8, v7;
	v50 =	vunpack.c.0.s8.s32 v10  }
0xc3: {  	v5 =	vadd.s32 v6, v5;
	v6 =	vunpack.c.0.s8.s32 v54;
	v49 =	vand.u32 $0xF, v9  }
0xc4: {  	v10 =	vunpack.c.0.s8.s32 v55;
	v8 =	vperm.xlane v5, v49;
	v9 =	vcombine.low v51, v50  }
0xc5: {  	v57 =	vimm.s32 $0x76543210;
	v11 =	vunpack.c.l.s4.s8 v56;
	v52 =	vperm.xlane v7, v49  }
0xc6: {  	v6 =	vcombine.low v10, v6;
	v5 =	vadd.s32 v5, v8;
	v9 =	vand.u32 $0xF, v9  }
0xc7: {  	v7 =	vadd.f32 v52, v7;
	v8 =	vunpack.c.l.s4.s8 v57;
	v58 =	vperm.xlane v5, v9  }
0xc8: {  	v11 =	vunpack.c.0.s8.s32 v11;
	v6 =	vand.u32 $0xF, v6  }
0xc9: {  	v9 =	vperm.xlane v7, v9;
	v8 =	vunpack.c.0.s8.s32 v8;
	v5 =	vadd.s32 v58, v5  }
0xca: {  	v59 =	vand.u32 $0xF, v11;
	v60 =	vperm.xlane v5, v6  }
0xcb: {  	v7 =	vadd.f32 v9, v7;
	v8 =	vcombine.low v59, v8  }
0xcc: {  	v5 =	vadd.s32 v60, v5  }
0xcd: {  	v6 =	vperm.xlane v7, v6;
	v61 =	vperm.xlane v5, v8;
	_ =	sdelay $0x1  }
0xce: {  	v6 =	vadd.f32 v6, v7;
	v5 =	vadd.s32 v5, v61  }
0xcf: {  	v5 =	vsub.s32 $0x33, v5  }
0xd0: {  	v7 =	vperm.xlane v6, v8;
	v5 =	vcvt.s32.f32 v5;
	_ =	sdelay $0x1  }
0xd1: {  	v6 =	vadd.f32 v7, v6;
	v62 =	vmul.f32 v5, v4;
	_ =	sdelay $0x1  }
0xd2: {  	v0 =	vadd.f32 v0, v2;
	v63 =	vadd.f32 v62, v6;
	_ =	sdelay $0x1  }
0xd3: {  	v1 =	vadd.f32 v3, v1;
	v0 =	vsub.f32 v0, v63;
	_ =	sdelay $0x1  }
0xd4: {  	v0 =	vadd.f32 v0, v1;
	_ =	sdelay $0x1  }
0xd5: {  	s3 =	simm.s32 $0x0;
	s4 =	simm.s32 $0xC00;
	s31 =	simm.s32 $0x1;
	[tilespmem:$0xC00] =	vst v0  }
0xd6: {  	[hbm4b:s2+s3] =	stream.linear.scatter [tilespmem:s4], [sflag:$0x1], $0x80, $0x38;
	[tilespmem:$0xC80] =	vst v63  }
0xd7: {  	_ =	swait.ge [sflag:s31], $0x80  }
0xd8: {  	[sflag:s31] =	ssyncset.done $0x0  }
0xd9: {  	[sflag:s31] =	ssyncadd.s32 $0xFFFFFF80  }
.LBB2_8:
0xda: {  	_ =	sfence.sel $0x180000  }
0xdb: {  	[bflag:$0x0] =	sbarrier.arrive $0xFFFF  }
0xdc: {  	p0 =	sne.s32 s1, $0x0;
	_ =	strace $0x90000047  }
0xdd: {  	s0 =	sadd.s32 @!p0 $0x100000, s0;
	[bflag:$0x2] =	sbarrier.arrive $0xFFFF  }
0xde: {  	[sflag:s0] =	ssyncadd.tile.s32 @!p0 $0x1;
	_ =	shalt  }
.Lfunc_end2:
_tile_overlayer_lowered:
.L_overlay_start_2:
0xdf: {  	(tag) =	ssettag $0x2  }
0xe0: {  	s0 =	rddreg [dreg:$0x0];
	s2 =	stileid.u32  }
0xe1: {  	s1 =	rddreg [dreg:$0x1];
	p0 =	sne.s32 s2, $0x0  }
0xe2: {  	s3 =	rddreg [dreg:$0x2];
	[bflag:$0x3] =	sbarrier.arrive $0xFFFF;
	s2 =	simm.s32 @!p0 $0x1C01  }
0xe3: {  	[timem:s3], [sflag:s2] =	dma.local @!p0 [hbm:s0], s1  }
0xe4: {  	s0 =	simm.s32 @!p0 $0x1  }
0xe5: {  	_ =	swait.ge @!p0 [sflag:s0], s1  }
0xe6: {  	s1 =	ssub.s32 @!p0 $0x0, s1;
	[sflag:s0] =	ssyncset.done @!p0 $0x0  }
0xe7: {  	[sflag:s0] =	ssyncadd.s32 @!p0 s1  }
0xe8: {  	[bflag:$0x3] =	sbarrier.arrive $0xFFFF  }
0xe9: {  	_ =	shalt  }

</sc_bundles>
